<compile_context>
chip_gen: v7x
topology: tpu7x:2x2x1
jax: 0.10.2.dev20260603
libtpu: 0.0.44.dev20260713+nightly
codegen_flags: <defaults>
</compile_context>

<pallas_src>
import functools

import jax
import jax.numpy as jnp
from jax import lax
from jax.experimental import pallas as pl
from jax.experimental.pallas import tpu as pltpu
from jax.experimental.pallas import tpu_sc as plsc

BEV_H = 200
BEV_W = 200
RES = 0.5
GX0 = -50.0
GY0 = -50.0

NPTS = 20000
NG = 8
NT = 4
ROWS = BEV_H // NT
CELLS = ROWS * BEV_W
PPG = NPTS // NG
CHUNKS = (PPG + 15) // 16
PPGP = CHUNKS * 16
NCH = 6
HW = BEV_H * BEV_W
PAD = BEV_W + 1
BIGKEY = 1 << 28


def _take16(x, idx):
    return lax.gather(
        x, idx[:, None],
        dimension_numbers=lax.GatherDimensionNumbers(
            offset_dims=(), collapsed_slice_dims=(0,), start_index_map=(0,)),
        slice_sizes=(1,), mode=lax.GatherScatterMode.PROMISE_IN_BOUNDS)


def _sort16(key, val):
    return plsc.sort_key_val(key, val)


def _bin_resolve(xv, yv, zv, iv, lane_valid, sub):
    iota = lax.iota(jnp.int32, 16)
    xi = jnp.clip(((xv - GX0) * 2.0).astype(jnp.int32), 0, BEV_W - 1)
    yi = jnp.clip(((yv - GY0) * 2.0).astype(jnp.int32), 0, BEV_H - 1)
    h = ((zv > -2.0).astype(jnp.int32) + (zv > 0.0).astype(jnp.int32)
         + (zv > 2.0).astype(jnp.int32) + (zv > 4.0).astype(jnp.int32))
    h = jnp.minimum(h, 3)
    y0 = sub * ROWS
    mine = lane_valid & (yi >= y0) & (yi < y0 + ROWS)
    cell = (yi - y0) * BEV_W + xi
    key = jnp.where(mine, cell * 8 + h, jnp.int32(BIGKEY))

    skey, perm = _sort16(key, iota)
    scell = jnp.right_shift(skey, 3)
    val_s = _take16(zv + 2.0, perm)

    hval = val_s
    lane_m = perm
    for s in (1, 2, 4, 8):
        src = jnp.maximum(iota - s, 0)
        k2 = _take16(skey, src)
        hval = jnp.where(k2 == skey,
                         jnp.maximum(hval, _take16(hval, src)), hval)
        lane_m = jnp.where(jnp.right_shift(k2, 3) == scell,
                           jnp.maximum(lane_m, _take16(lane_m, src)), lane_m)

    nxt = jnp.minimum(iota + 1, 15)
    kn = _take16(skey, nxt)
    end_h = (iota == 15) | (kn != skey)
    end_c = (iota == 15) | (jnp.right_shift(kn, 3) != scell)
    mine_s = skey < BIGKEY
    mask_h = end_h & mine_s
    mask_c = end_c & mine_s

    ch_s = jnp.bitwise_and(skey, 7)
    cell_s = jnp.where(mine_s, scell, 0)
    ival = jnp.maximum(_take16(iv, lane_m), 0.0)
    return ch_s, cell_s, hval, mask_h, ival, mask_c


def _sc_body(pts_hbm, out_hbm, pts_v, slab):
    wid = lax.axis_index("c") * 16 + lax.axis_index("s")
    g = wid // NT
    sub = wid % NT

    pltpu.sync_copy(pts_hbm.at[g], pts_v)

    zeros = jnp.zeros((16,), jnp.float32)

    def zero_body(i, _):
        for c in range(NCH):
            slab[pl.ds(c * CELLS + i * 16, 16)] = zeros
        return 0

    lax.fori_loop(0, CELLS // 16, zero_body, 0)

    ones = jnp.ones((16,), jnp.float32)
    iota = lax.iota(jnp.int32, 16)

    def body(ci, _):
        off = ci * 16
        idx = off + iota
        lane_valid = idx < PPG
        base4 = jnp.minimum(idx, PPG - 1) * 4
        xv = plsc.load_gather(pts_v, [base4])
        yv = plsc.load_gather(pts_v, [base4 + 1])
        zv = plsc.load_gather(pts_v, [base4 + 2])
        iv = plsc.load_gather(pts_v, [base4 + 3])
        ch_s, cell_s, hval, mask_h, ival, mask_c = _bin_resolve(
            xv, yv, zv, iv, lane_valid, sub)
        addr = ch_s * CELLS + cell_s
        cur = plsc.load_gather(slab, [addr], mask=mask_h)
        plsc.store_scatter(slab, [addr],
                           jnp.maximum(cur, hval), mask=mask_h)
        plsc.store_scatter(slab, [4 * CELLS + cell_s], ival, mask=mask_c)
        plsc.store_scatter(slab, [5 * CELLS + cell_s], ones, mask=mask_c)
        return 0

    lax.fori_loop(0, CHUNKS, body, 0)

    for c in range(NCH):
        pltpu.sync_copy(slab.at[pl.ds(c * CELLS, CELLS)],
                        out_hbm.at[sub, c, g])


def _sc_build(pts):
    mesh = plsc.VectorSubcoreMesh(
        core_axis_name="c", subcore_axis_name="s", num_cores=2,
        num_subcores=16)
    f = pl.kernel(
        _sc_body,
        out_type=jax.ShapeDtypeStruct((NT, NCH, NG, CELLS), jnp.float32),
        mesh=mesh,
        scratch_types=[
            pltpu.VMEM((PPG * 4,), jnp.float32),
            pltpu.VMEM((NCH * CELLS,), jnp.float32),
        ],
        compiler_params=pltpu.CompilerParams(
            use_tc_tiling_on_sc=False, needs_layout_passes=False),
    )
    return f(pts)


PADC = 256
BLK = 8192
NBF = 5
TOTW = NBF * BLK
COLS = PADC + TOTW + PADC


def _dot(a, b):
    return jax.lax.dot_general(
        a, b, (((1,), (0,)), ((), ())),
        preferred_element_type=jnp.float32,
        precision=jax.lax.Precision.DEFAULT)


def _blk_masks(b, w):
    col = b * w + lax.broadcasted_iota(jnp.int32, (1, w), 1)
    inrow = lax.rem(col, BEV_W)
    m_l = (inrow != 0).astype(jnp.float32)
    m_r = (inrow != BEV_W - 1).astype(jnp.float32)
    valid = (col < HW).astype(jnp.float32)
    return m_l, m_r, valid


def _conv_chunk(pad_ref, wr, b, m_l, m_r):
    start = pl.multiple_of(b * BLK, 128)
    chunk = pad_ref[:, pl.ds(start, BLK + 2 * PADC)]
    acc = None
    for dy in range(3):
        for dx in range(3):
            off = (dy - 1) * BEV_W + (dx - 1)
            sft = chunk[:, PADC + off:PADC + off + BLK]
            if dx == 0:
                sft = sft * m_l
            elif dx == 2:
                sft = sft * m_r
            d = _dot(wr[dy, dx], sft)
            acc = d if acc is None else acc + d
    return acc


def _tc1_body(part, w1r, g1r, be1r, w2r, f2_ref, m2_ref, v2_ref, pad1, pad2):
    pad1[:, :PADC] = jnp.zeros((5, PADC), jnp.float32)
    pad1[:, PADC + HW:] = jnp.zeros((5, COLS - PADC - HW), jnp.float32)
    pad2[:, :PADC] = jnp.zeros((32, PADC), jnp.float32)

    for sub in range(NT):
        dst = pl.ds(PADC + sub * CELLS, CELLS)
        for c in range(4):
            pad1[pl.ds(c, 1), dst] = jnp.max(part[sub, c], axis=0,
                                             keepdims=True)
        v8 = part[sub, 4]
        f8 = part[sub, 5]
        g8 = lax.broadcasted_iota(jnp.int32, (NG, CELLS), 0)
        key = jnp.where(f8 > 0.0, g8, -1)
        kmax = jnp.max(key, axis=0, keepdims=True)
        r = jnp.sum(jnp.where((key == kmax) & (key >= 0), v8,
                              jnp.zeros_like(v8)), axis=0, keepdims=True)
        pad1[pl.ds(4, 1), dst] = r

    def conv1_blk(b, _):
        m_l, m_r, _ = _blk_masks(b, BLK)
        dst = pl.multiple_of(PADC + b * BLK, 128)
        pad2[:, pl.ds(dst, BLK)] = _conv_chunk(pad1, w1r, b, m_l, m_r)
        return 0

    lax.fori_loop(0, NBF, conv1_blk, 0)

    def sum1_blk(b, tot):
        _, _, valid = _blk_masks(b, BLK)
        src = pl.multiple_of(PADC + b * BLK, 128)
        return tot + jnp.sum(pad2[:, pl.ds(src, BLK)] * valid, axis=1,
                             keepdims=True)

    mean = lax.fori_loop(0, NBF, sum1_blk,
                         jnp.zeros((32, 1), jnp.float32)) / HW

    def var1_blk(b, tot):
        _, _, valid = _blk_masks(b, BLK)
        src = pl.multiple_of(PADC + b * BLK, 128)
        d = (pad2[:, pl.ds(src, BLK)] - mean) * valid
        return tot + jnp.sum(d * d, axis=1, keepdims=True)

    var = lax.fori_loop(0, NBF, var1_blk,
                        jnp.zeros((32, 1), jnp.float32)) / HW

    def norm1_blk(b, _):
        src = pl.multiple_of(PADC + b * BLK, 128)
        blk = pad2[:, pl.ds(src, BLK)]
        y = g1r[...] * (blk - mean) / jnp.sqrt(var + 1e-5) + be1r[...]
        pad2[:, pl.ds(src, BLK)] = jnp.maximum(y, 0.0)
        return 0

    lax.fori_loop(0, NBF, norm1_blk, 0)
    pad2[:, PADC + HW:] = jnp.zeros((32, COLS - PADC - HW), jnp.float32)

    def conv2_blk(b, _):
        m_l, m_r, _ = _blk_masks(b, BLK)
        dst = pl.multiple_of(b * BLK, 128)
        f2_ref[:, pl.ds(dst, BLK)] = _conv_chunk(pad2, w2r, b, m_l, m_r)
        return 0

    lax.fori_loop(0, NBF, conv2_blk, 0)

    def sum2_blk(b, tot):
        _, _, valid = _blk_masks(b, BLK)
        src = pl.multiple_of(b * BLK, 128)
        return tot + jnp.sum(f2_ref[:, pl.ds(src, BLK)] * valid, axis=1,
                             keepdims=True)

    m2 = lax.fori_loop(0, NBF, sum2_blk,
                       jnp.zeros((64, 1), jnp.float32)) / HW
    m2_ref[...] = m2

    def var2_blk(b, tot):
        _, _, valid = _blk_masks(b, BLK)
        src = pl.multiple_of(b * BLK, 128)
        d = (f2_ref[:, pl.ds(src, BLK)] - m2) * valid
        return tot + jnp.sum(d * d, axis=1, keepdims=True)

    v2_ref[...] = lax.fori_loop(0, NBF, var2_blk,
                                jnp.zeros((64, 1), jnp.float32)) / HW


def _tc2_body(f2_in, g2r, be2r, m2r, v2r, w3r, b3r, out_ref):
    def one(src):
        x = f2_in[:, pl.ds(src, BLK)]
        y = g2r[...] * (x - m2r[...]) / jnp.sqrt(v2r[...] + 1e-5) + be2r[...]
        out_ref[:, pl.ds(src, BLK)] = (
            _dot(w3r[...], jnp.maximum(y, 0.0)) + b3r[...])

    def blk(b, _):
        one(pl.multiple_of(b * BLK, 128))
        return 0

    lax.fori_loop(0, NBF - 1, blk, 0)
    one(HW - BLK)


def _tc_encode(part, w1, b1, g1, be1, w2, b2, g2, be2, w3, b3):
    f2, m2, v2 = pl.pallas_call(
        _tc1_body,
        out_shape=[
            jax.ShapeDtypeStruct((64, TOTW), jnp.float32),
            jax.ShapeDtypeStruct((64, 1), jnp.float32),
            jax.ShapeDtypeStruct((64, 1), jnp.float32),
        ],
        scratch_shapes=[
            pltpu.VMEM((5, COLS), jnp.float32),
            pltpu.VMEM((32, COLS), jnp.float32),
        ],
    )(part, w1, g1, be1, w2)
    return pl.pallas_call(
        _tc2_body,
        out_shape=jax.ShapeDtypeStruct((128, HW), jnp.float32),
    )(f2, g2, be2, m2, v2, w3, b3)


def kernel(points, w1, b1, g1, be1, w2, b2, g2, be2, w3, b3):
    part = _sc_build(points.reshape(NG, PPG * 4))

    out = _tc_encode(
        part,
        w1.transpose(2, 3, 0, 1),
        b1.reshape(32, 1), g1.reshape(32, 1), be1.reshape(32, 1),
        w2.transpose(2, 3, 0, 1),
        b2.reshape(64, 1), g2.reshape(64, 1), be2.reshape(64, 1),
        w3.reshape(128, 64), b3.reshape(128, 1))
    return out.reshape(1, 128, BEV_H, BEV_W)

# --- scband reference (transcript-rebuilt; emitter-appended) ---
"""Pipeline reference for scband-lidar-to-bev-84645215470111 (READ-ONLY COPY).

The authoritative reference and input builder live on the scoring server;
editing this copy changes nothing except your own understanding.
"""

import jax, jax.numpy as jnp
import numpy as np

BEV_H = 200
BEV_W = 200
RES = 0.5
X0 = -50.0
Y0 = -50.0


def conv2d(x, w, b, pad):
    out = jax.lax.conv_general_dilated(
        x, w, window_strides=(1, 1), padding=[(pad, pad), (pad, pad)],
        dimension_numbers=('NCHW', 'OIHW', 'NCHW'))
    return out + b[None, :, None, None]


def batchnorm(x, gamma, beta, eps=1e-5):
    mean = x.mean(axis=(0, 2, 3), keepdims=True)
    var = x.var(axis=(0, 2, 3), keepdims=True)
    return gamma[None, :, None, None] * (x - mean) / jnp.sqrt(var + eps) + beta[None, :, None, None]


def setup_inputs(seed: int = 0) -> dict:
    key = jax.random.key(seed)
    ks = jax.random.split(key, 12)
    points = jax.random.normal(ks[0], (20000, 4), dtype=jnp.float32)
    w1 = jax.random.normal(ks[1], (32, 5, 3, 3), dtype=jnp.float32) * 0.05
    b1 = jnp.zeros((32,), dtype=jnp.float32)
    g1 = jnp.ones((32,), dtype=jnp.float32)
    be1 = jnp.zeros((32,), dtype=jnp.float32)
    w2 = jax.random.normal(ks[2], (64, 32, 3, 3), dtype=jnp.float32) * 0.05
    b2 = jnp.zeros((64,), dtype=jnp.float32)
    g2 = jnp.ones((64,), dtype=jnp.float32)
    be2 = jnp.zeros((64,), dtype=jnp.float32)
    w3 = jax.random.normal(ks[3], (128, 64, 1, 1), dtype=jnp.float32) * 0.05
    b3 = jnp.zeros((128,), dtype=jnp.float32)
    return {"points": points, "w1": w1, "b1": b1, "g1": g1, "be1": be1,
            "w2": w2, "b2": b2, "g2": g2, "be2": be2, "w3": w3, "b3": b3}


def reference(points, w1, b1, g1, be1, w2, b2, g2, be2, w3, b3):
    x = points[:, 0]
    y = points[:, 1]
    z = points[:, 2]
    intensity = points[:, 3]
    x_idx = jnp.clip(((x - X0) / RES).astype(jnp.int32), 0, BEV_W - 1)
    y_idx = jnp.clip(((y - Y0) / RES).astype(jnp.int32), 0, BEV_H - 1)
    height_bins = jnp.linspace(-2.0, 4.0, 4)
    h_idx = jnp.clip(jnp.searchsorted(height_bins, z), 0, 3)
    bev = jnp.zeros((1, 5, BEV_H, BEV_W), dtype=jnp.float32)
    # sequential per-point max writes == scatter-max (max is commutative)
    bev = bev.at[0, h_idx, y_idx, x_idx].max(z + 2.0)
    # intensity channel: gather current, elementwise max, scatter-overwrite
    gathered = bev[0, 4, y_idx, x_idx]
    vals = jnp.maximum(gathered, intensity)
    bev = bev.at[0, 4, y_idx, x_idx].set(vals)
    feat = conv2d(bev, w1, b1, 1)
    feat = jax.nn.relu(batchnorm(feat, g1, be1))
    feat = conv2d(feat, w2, b2, 1)
    feat = jax.nn.relu(batchnorm(feat, g2, be2))
    feat = conv2d(feat, w3, b3, 0)
    return feat

if __name__ == "__main__":
    import jax
    _d = setup_inputs()
    print(jax.jit(kernel)(*tuple(_d.values())))

</pallas_src>

<mosaic_0001>
#map = affine_map<(d0, d1) -> (0, 0)>
#map1 = affine_map<(d0, d1) -> (0, 0, 0, 0)>
module attributes {stable_mosaic.version = 14 : i64} {
  func.func @_sc_body(%arg0: i32, %arg1: i32, %arg2: memref<8x10000xf32, #tpu.memory_space<hbm>>, %arg3: memref<4x6x8x10000xf32, #tpu.memory_space<hbm>>, %arg4: memref<10000xf32, #tpu.memory_space<vmem>>, %arg5: memref<60000xf32, #tpu.memory_space<vmem>>) attributes {dimension_semantics = [#tpu.dimension_semantics<core_parallel>, #tpu.dimension_semantics<subcore_parallel>], iteration_bounds = array<i64: 2, 16>, scalar_prefetch = 0 : i64, scratch_operands = 2 : i64, tpu.core_type = #tpu.core_type<sc_vector_subcore>, window_params = [{transform_indices = #map}, {transform_indices = #map1}]} {
    %mul3A = arith.constant 16 : i32
    %mul3A_0 = arith.muli %arg0, %mul3A : i32
    %add3A = arith.addi %mul3A_0, %arg1 : i32
    %jit3A = arith.constant 4 : i32
    %div3A = arith.divsi %add3A, %jit3A : i32
    %sign3A = arith.constant 0 : i32
    %sign3A_1 = arith.cmpi sgt, %add3A, %sign3A : i32
    %sign3A_2 = arith.extui %sign3A_1 : i1 to i32
    %sign3A_3 = arith.constant 0 : i32
    %sign3A_4 = arith.cmpi slt, %add3A, %sign3A_3 : i32
    %sign3A_5 = arith.extui %sign3A_4 : i1 to i32
    %sign3A_6 = arith.subi %sign3A_2, %sign3A_5 : i32
    %sign3A_7 = arith.constant 0 : i32
    %sign3A_8 = arith.cmpi sgt, %jit3A, %sign3A_7 : i32
    %sign3A_9 = arith.extui %sign3A_8 : i1 to i32
    %sign3A_10 = arith.constant 0 : i32
    %sign3A_11 = arith.cmpi slt, %jit3A, %sign3A_10 : i32
    %sign3A_12 = arith.extui %sign3A_11 : i1 to i32
    %sign3A_13 = arith.subi %sign3A_9, %sign3A_12 : i32
    %ne3A = arith.cmpi ne, %sign3A_6, %sign3A_13 : i32
    %rem3A = arith.remsi %add3A, %jit3A : i32
    %ne3A_14 = arith.constant 0 : i32
    %ne3A_15 = arith.cmpi ne, %rem3A, %ne3A_14 : i32
    %and3A = arith.andi %ne3A, %ne3A_15 : i1
    %sub3A = arith.constant 1 : i32
    %sub3A_16 = arith.subi %div3A, %sub3A : i32
    %select_n3A = arith.select %and3A, %sub3A_16, %div3A : i32
    %jit3A_17 = arith.constant 4 : i32
    %eq3A = arith.constant 0 : i32
    %eq3A_18 = arith.cmpi eq, %jit3A_17, %eq3A : i32
    %jit3A_19 = arith.constant 1 : i32
    %select_n3A_20 = arith.select %eq3A_18, %jit3A_19, %jit3A_17 : i32
    %rem3A_21 = arith.remsi %add3A, %select_n3A_20 : i32
    %ne3A_22 = arith.constant 0 : i32
    %ne3A_23 = arith.cmpi ne, %rem3A_21, %ne3A_22 : i32
    %lt3A = arith.constant 0 : i32
    %lt3A_24 = arith.cmpi slt, %rem3A_21, %lt3A : i32
    %lt3A_25 = arith.constant 0 : i32
    %lt3A_26 = arith.cmpi slt, %select_n3A_20, %lt3A_25 : i32
    %ne3A_27 = arith.xori %lt3A_24, %lt3A_26 : i1
    %and3A_28 = arith.andi %ne3A_27, %ne3A_23 : i1
    %add3A_29 = arith.addi %rem3A_21, %select_n3A_20 : i32
    %select_n3A_30 = arith.select %and3A_28, %add3A_29, %rem3A_21 : i32
    "tpu.region"() ({
      %run_scoped3A_52 = tpu.sem_alloc : memref<!tpu.dma_semaphore, #tpu.memory_space<semaphore_mem>>
      %dma_start3A = arith.constant 0 : i32
      %dma_start3A_53 = tpu.memref_slice %arg2[%select_n3A, %dma_start3A] : memref<8x10000xf32, #tpu.memory_space<hbm>> -> memref<1x10000xf32, #tpu.memory_space<hbm>>
      %dma_start3A_54 = tpu.memref_squeeze %dma_start3A_53 : memref<1x10000xf32, #tpu.memory_space<hbm>> -> memref<10000xf32, #tpu.memory_space<hbm>>
      %dma_start3A_55 = arith.constant 0 : i32
      %dma_start3A_56 = tpu.memref_slice %arg2[%select_n3A, %dma_start3A_55] : memref<8x10000xf32, #tpu.memory_space<hbm>> -> memref<1x10000xf32, #tpu.memory_space<hbm>>
      %dma_start3A_57 = tpu.memref_squeeze %dma_start3A_56 : memref<1x10000xf32, #tpu.memory_space<hbm>> -> memref<10000xf32, #tpu.memory_space<hbm>>
      tpu.enqueue_dma source(%dma_start3A_57 : memref<10000xf32, #tpu.memory_space<hbm>>) target(%arg4 : memref<10000xf32, #tpu.memory_space<vmem>>) target_semaphore(%run_scoped3A_52 : memref<!tpu.dma_semaphore, #tpu.memory_space<semaphore_mem>>)
      %dma_wait3A = arith.constant 0 : i32
      %dma_wait3A_58 = tpu.memref_slice %arg2[%select_n3A, %dma_wait3A] : memref<8x10000xf32, #tpu.memory_space<hbm>> -> memref<1x10000xf32, #tpu.memory_space<hbm>>
      %dma_wait3A_59 = tpu.memref_squeeze %dma_wait3A_58 : memref<1x10000xf32, #tpu.memory_space<hbm>> -> memref<10000xf32, #tpu.memory_space<hbm>>
      %dma_wait3A_60 = arith.constant 0 : i32
      %dma_wait3A_61 = tpu.memref_slice %arg2[%select_n3A, %dma_wait3A_60] : memref<8x10000xf32, #tpu.memory_space<hbm>> -> memref<1x10000xf32, #tpu.memory_space<hbm>>
      %dma_wait3A_62 = tpu.memref_squeeze %dma_wait3A_61 : memref<1x10000xf32, #tpu.memory_space<hbm>> -> memref<10000xf32, #tpu.memory_space<hbm>>
      tpu.wait_dma2 semaphore(%run_scoped3A_52 : memref<!tpu.dma_semaphore, #tpu.memory_space<semaphore_mem>>) src(%dma_wait3A_62 : memref<10000xf32, #tpu.memory_space<hbm>>) dst(%arg4 : memref<10000xf32, #tpu.memory_space<vmem>>)
      tpu.yield
    }) : () -> ()
    %broadcast_in_dim3A = arith.constant 0.000000e+00 : f32
    %broadcast_in_dim3A_31 = vector.broadcast %broadcast_in_dim3A : f32 to vector<16xf32>
    %scan3A = arith.constant 0 : i32
    %scan3A_32 = arith.constant 0 : i32
    %scan3A_33 = arith.constant 625 : i32
    %scan3A_34 = arith.addi %scan3A_32, %scan3A_33 : i32
    %scan3A_35 = arith.constant 1 : i32
    %scan3A_36 = scf.for %scan3A_52 = %scan3A_32 to %scan3A_34 step %scan3A_35 iter_args(%scan3A_53 = %scan3A) -> (i32)  : i32 {
      %mul3A_54 = arith.constant 16 : i32
      %mul3A_55 = arith.muli %scan3A_52, %mul3A_54 : i32
      %add3A_56 = arith.constant 0 : i32
      %add3A_57 = arith.addi %add3A_56, %mul3A_55 : i32
      %swap3A = arith.index_cast %add3A_57 : i32 to index
      %swap3A_58 = tpu.vector_load %arg5[%swap3A] {strides = array<i32>} : memref<60000xf32, #tpu.memory_space<vmem>>, vector<16xf32>,
      tpu.vector_store %arg5[%swap3A], %broadcast_in_dim3A_31 {strides = array<i32>} : memref<60000xf32, #tpu.memory_space<vmem>>, vector<16xf32>,
      %mul3A_59 = arith.constant 16 : i32
      %mul3A_60 = arith.muli %scan3A_52, %mul3A_59 : i32
      %add3A_61 = arith.constant 10000 : i32
      %add3A_62 = arith.addi %add3A_61, %mul3A_60 : i32
      %swap3A_63 = arith.index_cast %add3A_62 : i32 to index
      %swap3A_64 = tpu.vector_load %arg5[%swap3A_63] {strides = array<i32>} : memref<60000xf32, #tpu.memory_space<vmem>>, vector<16xf32>,
      tpu.vector_store %arg5[%swap3A_63], %broadcast_in_dim3A_31 {strides = array<i32>} : memref<60000xf32, #tpu.memory_space<vmem>>, vector<16xf32>,
      %mul3A_65 = arith.constant 16 : i32
      %mul3A_66 = arith.muli %scan3A_52, %mul3A_65 : i32
      %add3A_67 = arith.constant 20000 : i32
      %add3A_68 = arith.addi %add3A_67, %mul3A_66 : i32
      %swap3A_69 = arith.index_cast %add3A_68 : i32 to index
      %swap3A_70 = tpu.vector_load %arg5[%swap3A_69] {strides = array<i32>} : memref<60000xf32, #tpu.memory_space<vmem>>, vector<16xf32>,
      tpu.vector_store %arg5[%swap3A_69], %broadcast_in_dim3A_31 {strides = array<i32>} : memref<60000xf32, #tpu.memory_space<vmem>>, vector<16xf32>,
      %mul3A_71 = arith.constant 16 : i32
      %mul3A_72 = arith.muli %scan3A_52, %mul3A_71 : i32
      %add3A_73 = arith.constant 30000 : i32
      %add3A_74 = arith.addi %add3A_73, %mul3A_72 : i32
      %swap3A_75 = arith.index_cast %add3A_74 : i32 to index
      %swap3A_76 = tpu.vector_load %arg5[%swap3A_75] {strides = array<i32>} : memref<60000xf32, #tpu.memory_space<vmem>>, vector<16xf32>,
      tpu.vector_store %arg5[%swap3A_75], %broadcast_in_dim3A_31 {strides = array<i32>} : memref<60000xf32, #tpu.memory_space<vmem>>, vector<16xf32>,
      %mul3A_77 = arith.constant 16 : i32
      %mul3A_78 = arith.muli %scan3A_52, %mul3A_77 : i32
      %add3A_79 = arith.constant 40000 : i32
      %add3A_80 = arith.addi %add3A_79, %mul3A_78 : i32
      %swap3A_81 = arith.index_cast %add3A_80 : i32 to index
      %swap3A_82 = tpu.vector_load %arg5[%swap3A_81] {strides = array<i32>} : memref<60000xf32, #tpu.memory_space<vmem>>, vector<16xf32>,
      tpu.vector_store %arg5[%swap3A_81], %broadcast_in_dim3A_31 {strides = array<i32>} : memref<60000xf32, #tpu.memory_space<vmem>>, vector<16xf32>,
      %mul3A_83 = arith.constant 16 : i32
      %mul3A_84 = arith.muli %scan3A_52, %mul3A_83 : i32
      %add3A_85 = arith.constant 50000 : i32
      %add3A_86 = arith.addi %add3A_85, %mul3A_84 : i32
      %swap3A_87 = arith.index_cast %add3A_86 : i32 to index
      %swap3A_88 = tpu.vector_load %arg5[%swap3A_87] {strides = array<i32>} : memref<60000xf32, #tpu.memory_space<vmem>>, vector<16xf32>,
      tpu.vector_store %arg5[%swap3A_87], %broadcast_in_dim3A_31 {strides = array<i32>} : memref<60000xf32, #tpu.memory_space<vmem>>, vector<16xf32>,
      %scan3A_89 = arith.constant 0 : i32
      scf.yield %scan3A_89 : i32
    }
    %scan3A_37 = arith.constant 625 : i32
    %broadcast_in_dim3A_38 = arith.constant 1.000000e+00 : f32
    %broadcast_in_dim3A_39 = vector.broadcast %broadcast_in_dim3A_38 : f32 to vector<16xf32>
    %iota3A = tpu.iota {dimensions = array<i32: 0>} : vector<16xi32>
    %scan3A_40 = arith.constant 0 : i32
    %scan3A_41 = arith.constant 0 : i32
    %scan3A_42 = arith.constant 157 : i32
    %scan3A_43 = arith.addi %scan3A_41, %scan3A_42 : i32
    %scan3A_44 = arith.constant 1 : i32
    %scan3A_45 = scf.for %scan3A_52 = %scan3A_41 to %scan3A_43 step %scan3A_44 iter_args(%scan3A_53 = %scan3A_40) -> (i32)  : i32 {
      %mul3A_54 = arith.constant 16 : i32
      %mul3A_55 = arith.muli %scan3A_52, %mul3A_54 : i32
      %add3A_56 = vector.broadcast %mul3A_55 : i32 to vector<16xi32>
      %add3A_57 = arith.addi %add3A_56, %iota3A : vector<16xi32>
      %lt3A_58 = arith.constant 2500 : i32
      %lt3A_59 = vector.broadcast %lt3A_58 : i32 to vector<16xi32>
      %lt3A_60 = arith.cmpi slt, %add3A_57, %lt3A_59 : vector<16xi32>
      %min3A = arith.constant 2499 : i32
      %min3A_61 = vector.broadcast %min3A : i32 to vector<16xi32>
      %min3A_62 = arith.minsi %add3A_57, %min3A_61 : vector<16xi32>
      %mul3A_63 = arith.constant 4 : i32
      %mul3A_64 = vector.broadcast %mul3A_63 : i32 to vector<16xi32>
      %mul3A_65 = arith.muli %min3A_62, %mul3A_64 : vector<16xi32>
      %gather3A = tpu.vector_load_idx %arg4[%mul3A_65] : memref<10000xf32, #tpu.memory_space<vmem>>[vector<16xi32>], vector<16xf32>,
      %add3A_66 = arith.constant 1 : i32
      %add3A_67 = vector.broadcast %add3A_66 : i32 to vector<16xi32>
      %add3A_68 = arith.addi %mul3A_65, %add3A_67 : vector<16xi32>
      %gather3A_69 = tpu.vector_load_idx %arg4[%add3A_68] : memref<10000xf32, #tpu.memory_space<vmem>>[vector<16xi32>], vector<16xf32>,
      %add3A_70 = arith.constant 2 : i32
      %add3A_71 = vector.broadcast %add3A_70 : i32 to vector<16xi32>
      %add3A_72 = arith.addi %mul3A_65, %add3A_71 : vector<16xi32>
      %gather3A_73 = tpu.vector_load_idx %arg4[%add3A_72] : memref<10000xf32, #tpu.memory_space<vmem>>[vector<16xi32>], vector<16xf32>,
      %add3A_74 = arith.constant 3 : i32
      %add3A_75 = vector.broadcast %add3A_74 : i32 to vector<16xi32>
      %add3A_76 = arith.addi %mul3A_65, %add3A_75 : vector<16xi32>
      %gather3A_77 = tpu.vector_load_idx %arg4[%add3A_76] : memref<10000xf32, #tpu.memory_space<vmem>>[vector<16xi32>], vector<16xf32>,
      %iota3A_78 = tpu.iota {dimensions = array<i32: 0>} : vector<16xi32>
      %sub3A_79 = arith.constant -5.000000e+01 : f32
      %sub3A_80 = vector.broadcast %sub3A_79 : f32 to vector<16xf32>
      %sub3A_81 = arith.subf %gather3A, %sub3A_80 : vector<16xf32>
      %mul3A_82 = arith.constant 2.000000e+00 : f32
      %mul3A_83 = vector.broadcast %mul3A_82 : f32 to vector<16xf32>
      %mul3A_84 = arith.mulf %sub3A_81, %mul3A_83 : vector<16xf32>
      %convert_element_type3A = arith.fptosi %mul3A_84 : vector<16xf32> to vector<16xi32>
      %jit3A_85 = arith.constant 0 : i32
      %jit3A_86 = arith.constant 199 : i32
      %max3A = vector.broadcast %jit3A_85 : i32 to vector<16xi32>
      %max3A_87 = arith.maxsi %max3A, %convert_element_type3A : vector<16xi32>
      %min3A_88 = vector.broadcast %jit3A_86 : i32 to vector<16xi32>
      %min3A_89 = arith.minsi %min3A_88, %max3A_87 : vector<16xi32>
      %sub3A_90 = arith.constant -5.000000e+01 : f32
      %sub3A_91 = vector.broadcast %sub3A_90 : f32 to vector<16xf32>
      %sub3A_92 = arith.subf %gather3A_69, %sub3A_91 : vector<16xf32>
      %mul3A_93 = arith.constant 2.000000e+00 : f32
      %mul3A_94 = vector.broadcast %mul3A_93 : f32 to vector<16xf32>
      %mul3A_95 = arith.mulf %sub3A_92, %mul3A_94 : vector<16xf32>
      %convert_element_type3A_96 = arith.fptosi %mul3A_95 : vector<16xf32> to vector<16xi32>
      %jit3A_97 = arith.constant 0 : i32
      %jit3A_98 = arith.constant 199 : i32
      %max3A_99 = vector.broadcast %jit3A_97 : i32 to vector<16xi32>
      %max3A_100 = arith.maxsi %max3A_99, %convert_element_type3A_96 : vector<16xi32>
      %min3A_101 = vector.broadcast %jit3A_98 : i32 to vector<16xi32>
      %min3A_102 = arith.minsi %min3A_101, %max3A_100 : vector<16xi32>
      %gt3A = arith.constant -2.000000e+00 : f32
      %gt3A_103 = vector.broadcast %gt3A : f32 to vector<16xf32>
      %gt3A_104 = arith.cmpf ogt, %gather3A_73, %gt3A_103 : vector<16xf32>
      %convert_element_type3A_105 = arith.extui %gt3A_104 : vector<16xi1> to vector<16xi32>
      %gt3A_106 = arith.constant 0.000000e+00 : f32
      %gt3A_107 = vector.broadcast %gt3A_106 : f32 to vector<16xf32>
      %gt3A_108 = arith.cmpf ogt, %gather3A_73, %gt3A_107 : vector<16xf32>
      %convert_element_type3A_109 = arith.extui %gt3A_108 : vector<16xi1> to vector<16xi32>
      %add3A_110 = arith.addi %convert_element_type3A_105, %convert_element_type3A_109 : vector<16xi32>
      %gt3A_111 = arith.constant 2.000000e+00 : f32
      %gt3A_112 = vector.broadcast %gt3A_111 : f32 to vector<16xf32>
      %gt3A_113 = arith.cmpf ogt, %gather3A_73, %gt3A_112 : vector<16xf32>
      %convert_element_type3A_114 = arith.extui %gt3A_113 : vector<16xi1> to vector<16xi32>
      %add3A_115 = arith.addi %add3A_110, %convert_element_type3A_114 : vector<16xi32>
      %gt3A_116 = arith.constant 4.000000e+00 : f32
      %gt3A_117 = vector.broadcast %gt3A_116 : f32 to vector<16xf32>
      %gt3A_118 = arith.cmpf ogt, %gather3A_73, %gt3A_117 : vector<16xf32>
      %convert_element_type3A_119 = arith.extui %gt3A_118 : vector<16xi1> to vector<16xi32>
      %add3A_120 = arith.addi %add3A_115, %convert_element_type3A_119 : vector<16xi32>
      %min3A_121 = arith.constant 3 : i32
      %min3A_122 = vector.broadcast %min3A_121 : i32 to vector<16xi32>
      %min3A_123 = arith.minsi %add3A_120, %min3A_122 : vector<16xi32>
      %mul3A_124 = arith.constant 50 : i32
      %mul3A_125 = arith.muli %select_n3A_30, %mul3A_124 : i32
      %ge3A = vector.broadcast %mul3A_125 : i32 to vector<16xi32>
      %ge3A_126 = arith.cmpi sge, %min3A_102, %ge3A : vector<16xi32>
      %and3A_127 = arith.andi %lt3A_60, %ge3A_126 : vector<16xi1>
      %add3A_128 = arith.constant 50 : i32
      %add3A_129 = arith.addi %mul3A_125, %add3A_128 : i32
      %lt3A_130 = vector.broadcast %add3A_129 : i32 to vector<16xi32>
      %lt3A_131 = arith.cmpi slt, %min3A_102, %lt3A_130 : vector<16xi32>
      %and3A_132 = arith.andi %and3A_127, %lt3A_131 : vector<16xi1>
      %sub3A_133 = vector.broadcast %mul3A_125 : i32 to vector<16xi32>
      %sub3A_134 = arith.subi %min3A_102, %sub3A_133 : vector<16xi32>
      %mul3A_135 = arith.constant 200 : i32
      %mul3A_136 = vector.broadcast %mul3A_135 : i32 to vector<16xi32>
      %mul3A_137 = arith.muli %sub3A_134, %mul3A_136 : vector<16xi32>
      %add3A_138 = arith.addi %mul3A_137, %min3A_89 : vector<16xi32>
      %mul3A_139 = arith.constant 8 : i32
      %mul3A_140 = vector.broadcast %mul3A_139 : i32 to vector<16xi32>
      %mul3A_141 = arith.muli %add3A_138, %mul3A_140 : vector<16xi32>
      %add3A_142 = arith.addi %mul3A_141, %min3A_123 : vector<16xi32>
      %jit3A_143 = arith.constant 268435456 : i32
      %broadcast_in_dim3A_144 = vector.broadcast %jit3A_143 : i32 to vector<16xi32>
      %select_n3A_145 = arith.select %and3A_132, %add3A_142, %broadcast_in_dim3A_144 : vector<16xi1>, vector<16xi32>
      %masked_sort3A = arith.constant dense<true> : vector<16xi1>
      %masked_sort3A_146 = arith.constant -2147483648 : i32
      %masked_sort3A_147 = vector.broadcast %masked_sort3A_146 : i32 to vector<16xi32>
      %masked_sort3A_148 = arith.xori %select_n3A_145, %masked_sort3A_147 : vector<16xi32>
      %masked_sort3A_149, %masked_sort3A_150, %masked_sort3A_151 = tpu.sort %masked_sort3A_148, %iota3A_78 masked %masked_sort3A : (vector<16xi32>, vector<16xi32>, vector<16xi1>) -> (vector<16xi1>, vector<16xi32>, vector<16xi32>)
      %masked_sort3A_152 = arith.xori %masked_sort3A_150, %masked_sort3A_147 : vector<16xi32>
      %shift_right_arithmetic3A = arith.constant 3 : i32
      %shift_right_arithmetic3A_153 = vector.broadcast %shift_right_arithmetic3A : i32 to vector<16xi32>
      %shift_right_arithmetic3A_154 = arith.shrsi %masked_sort3A_152, %shift_right_arithmetic3A_153 : vector<16xi32>
      %add3A_155 = arith.constant 2.000000e+00 : f32
      %add3A_156 = vector.broadcast %add3A_155 : f32 to vector<16xf32>
      %add3A_157 = arith.addf %gather3A_73, %add3A_156 : vector<16xf32>
      %broadcast_in_dim3A_158 = vector.shape_cast %masked_sort3A_151 : vector<16xi32> to vector<16x1xi32>
      %gather3A_159 = vector.shape_cast %broadcast_in_dim3A_158 : vector<16x1xi32> to vector<16xi32>
      %gather3A_160 = tpu.dynamic_gather %add3A_157[%gather3A_159] in [0] : vector<16xf32>, vector<16xi32> -> vector<16xf32>
      %sub3A_161 = arith.constant 1 : i32
      %sub3A_162 = vector.broadcast %sub3A_161 : i32 to vector<16xi32>
      %sub3A_163 = arith.subi %iota3A_78, %sub3A_162 : vector<16xi32>
      %max3A_164 = arith.constant 0 : i32
      %max3A_165 = vector.broadcast %max3A_164 : i32 to vector<16xi32>
      %max3A_166 = arith.maxsi %sub3A_163, %max3A_165 : vector<16xi32>
      %broadcast_in_dim3A_167 = vector.shape_cast %max3A_166 : vector<16xi32> to vector<16x1xi32>
      %gather3A_168 = vector.shape_cast %broadcast_in_dim3A_167 : vector<16x1xi32> to vector<16xi32>
      %gather3A_169 = tpu.dynamic_gather %masked_sort3A_152[%gather3A_168] in [0] : vector<16xi32>, vector<16xi32> -> vector<16xi32>
      %eq3A_170 = arith.cmpi eq, %gather3A_169, %masked_sort3A_152 : vector<16xi32>
      %broadcast_in_dim3A_171 = vector.shape_cast %max3A_166 : vector<16xi32> to vector<16x1xi32>
      %gather3A_172 = vector.shape_cast %broadcast_in_dim3A_171 : vector<16x1xi32> to vector<16xi32>
      %gather3A_173 = tpu.dynamic_gather %gather3A_160[%gather3A_172] in [0] : vector<16xf32>, vector<16xi32> -> vector<16xf32>
      %max3A_174 = arith.maximumf %gather3A_160, %gather3A_173 : vector<16xf32>
      %select_n3A_175 = arith.select %eq3A_170, %max3A_174, %gather3A_160 : vector<16xi1>, vector<16xf32>
      %shift_right_arithmetic3A_176 = arith.constant 3 : i32
      %shift_right_arithmetic3A_177 = vector.broadcast %shift_right_arithmetic3A_176 : i32 to vector<16xi32>
      %shift_right_arithmetic3A_178 = arith.shrsi %gather3A_169, %shift_right_arithmetic3A_177 : vector<16xi32>
      %eq3A_179 = arith.cmpi eq, %shift_right_arithmetic3A_178, %shift_right_arithmetic3A_154 : vector<16xi32>
      %broadcast_in_dim3A_180 = vector.shape_cast %max3A_166 : vector<16xi32> to vector<16x1xi32>
      %gather3A_181 = vector.shape_cast %broadcast_in_dim3A_180 : vector<16x1xi32> to vector<16xi32>
      %gather3A_182 = tpu.dynamic_gather %masked_sort3A_151[%gather3A_181] in [0] : vector<16xi32>, vector<16xi32> -> vector<16xi32>
      %max3A_183 = arith.maxsi %masked_sort3A_151, %gather3A_182 : vector<16xi32>
      %select_n3A_184 = arith.select %eq3A_179, %max3A_183, %masked_sort3A_151 : vector<16xi1>, vector<16xi32>
      %sub3A_185 = arith.constant 2 : i32
      %sub3A_186 = vector.broadcast %sub3A_185 : i32 to vector<16xi32>
      %sub3A_187 = arith.subi %iota3A_78, %sub3A_186 : vector<16xi32>
      %max3A_188 = arith.constant 0 : i32
      %max3A_189 = vector.broadcast %max3A_188 : i32 to vector<16xi32>
      %max3A_190 = arith.maxsi %sub3A_187, %max3A_189 : vector<16xi32>
      %broadcast_in_dim3A_191 = vector.shape_cast %max3A_190 : vector<16xi32> to vector<16x1xi32>
      %gather3A_192 = vector.shape_cast %broadcast_in_dim3A_191 : vector<16x1xi32> to vector<16xi32>
      %gather3A_193 = tpu.dynamic_gather %masked_sort3A_152[%gather3A_192] in [0] : vector<16xi32>, vector<16xi32> -> vector<16xi32>
      %eq3A_194 = arith.cmpi eq, %gather3A_193, %masked_sort3A_152 : vector<16xi32>
      %broadcast_in_dim3A_195 = vector.shape_cast %max3A_190 : vector<16xi32> to vector<16x1xi32>
      %gather3A_196 = vector.shape_cast %broadcast_in_dim3A_195 : vector<16x1xi32> to vector<16xi32>
      %gather3A_197 = tpu.dynamic_gather %select_n3A_175[%gather3A_196] in [0] : vector<16xf32>, vector<16xi32> -> vector<16xf32>
      %max3A_198 = arith.maximumf %select_n3A_175, %gather3A_197 : vector<16xf32>
      %select_n3A_199 = arith.select %eq3A_194, %max3A_198, %select_n3A_175 : vector<16xi1>, vector<16xf32>
      %shift_right_arithmetic3A_200 = arith.constant 3 : i32
      %shift_right_arithmetic3A_201 = vector.broadcast %shift_right_arithmetic3A_200 : i32 to vector<16xi32>
      %shift_right_arithmetic3A_202 = arith.shrsi %gather3A_193, %shift_right_arithmetic3A_201 : vector<16xi32>
      %eq3A_203 = arith.cmpi eq, %shift_right_arithmetic3A_202, %shift_right_arithmetic3A_154 : vector<16xi32>
      %broadcast_in_dim3A_204 = vector.shape_cast %max3A_190 : vector<16xi32> to vector<16x1xi32>
      %gather3A_205 = vector.shape_cast %broadcast_in_dim3A_204 : vector<16x1xi32> to vector<16xi32>
      %gather3A_206 = tpu.dynamic_gather %select_n3A_184[%gather3A_205] in [0] : vector<16xi32>, vector<16xi32> -> vector<16xi32>
      %max3A_207 = arith.maxsi %select_n3A_184, %gather3A_206 : vector<16xi32>
      %select_n3A_208 = arith.select %eq3A_203, %max3A_207, %select_n3A_184 : vector<16xi1>, vector<16xi32>
      %sub3A_209 = arith.constant 4 : i32
      %sub3A_210 = vector.broadcast %sub3A_209 : i32 to vector<16xi32>
      %sub3A_211 = arith.subi %iota3A_78, %sub3A_210 : vector<16xi32>
      %max3A_212 = arith.constant 0 : i32
      %max3A_213 = vector.broadcast %max3A_212 : i32 to vector<16xi32>
      %max3A_214 = arith.maxsi %sub3A_211, %max3A_213 : vector<16xi32>
      %broadcast_in_dim3A_215 = vector.shape_cast %max3A_214 : vector<16xi32> to vector<16x1xi32>
      %gather3A_216 = vector.shape_cast %broadcast_in_dim3A_215 : vector<16x1xi32> to vector<16xi32>
      %gather3A_217 = tpu.dynamic_gather %masked_sort3A_152[%gather3A_216] in [0] : vector<16xi32>, vector<16xi32> -> vector<16xi32>
      %eq3A_218 = arith.cmpi eq, %gather3A_217, %masked_sort3A_152 : vector<16xi32>
      %broadcast_in_dim3A_219 = vector.shape_cast %max3A_214 : vector<16xi32> to vector<16x1xi32>
      %gather3A_220 = vector.shape_cast %broadcast_in_dim3A_219 : vector<16x1xi32> to vector<16xi32>
      %gather3A_221 = tpu.dynamic_gather %select_n3A_199[%gather3A_220] in [0] : vector<16xf32>, vector<16xi32> -> vector<16xf32>
      %max3A_222 = arith.maximumf %select_n3A_199, %gather3A_221 : vector<16xf32>
      %select_n3A_223 = arith.select %eq3A_218, %max3A_222, %select_n3A_199 : vector<16xi1>, vector<16xf32>
      %shift_right_arithmetic3A_224 = arith.constant 3 : i32
      %shift_right_arithmetic3A_225 = vector.broadcast %shift_right_arithmetic3A_224 : i32 to vector<16xi32>
      %shift_right_arithmetic3A_226 = arith.shrsi %gather3A_217, %shift_right_arithmetic3A_225 : vector<16xi32>
      %eq3A_227 = arith.cmpi eq, %shift_right_arithmetic3A_226, %shift_right_arithmetic3A_154 : vector<16xi32>
      %broadcast_in_dim3A_228 = vector.shape_cast %max3A_214 : vector<16xi32> to vector<16x1xi32>
      %gather3A_229 = vector.shape_cast %broadcast_in_dim3A_228 : vector<16x1xi32> to vector<16xi32>
      %gather3A_230 = tpu.dynamic_gather %select_n3A_208[%gather3A_229] in [0] : vector<16xi32>, vector<16xi32> -> vector<16xi32>
      %max3A_231 = arith.maxsi %select_n3A_208, %gather3A_230 : vector<16xi32>
      %select_n3A_232 = arith.select %eq3A_227, %max3A_231, %select_n3A_208 : vector<16xi1>, vector<16xi32>
      %sub3A_233 = arith.constant 8 : i32
      %sub3A_234 = vector.broadcast %sub3A_233 : i32 to vector<16xi32>
      %sub3A_235 = arith.subi %iota3A_78, %sub3A_234 : vector<16xi32>
      %max3A_236 = arith.constant 0 : i32
      %max3A_237 = vector.broadcast %max3A_236 : i32 to vector<16xi32>
      %max3A_238 = arith.maxsi %sub3A_235, %max3A_237 : vector<16xi32>
      %broadcast_in_dim3A_239 = vector.shape_cast %max3A_238 : vector<16xi32> to vector<16x1xi32>
      %gather3A_240 = vector.shape_cast %broadcast_in_dim3A_239 : vector<16x1xi32> to vector<16xi32>
      %gather3A_241 = tpu.dynamic_gather %masked_sort3A_152[%gather3A_240] in [0] : vector<16xi32>, vector<16xi32> -> vector<16xi32>
      %eq3A_242 = arith.cmpi eq, %gather3A_241, %masked_sort3A_152 : vector<16xi32>
      %broadcast_in_dim3A_243 = vector.shape_cast %max3A_238 : vector<16xi32> to vector<16x1xi32>
      %gather3A_244 = vector.shape_cast %broadcast_in_dim3A_243 : vector<16x1xi32> to vector<16xi32>
      %gather3A_245 = tpu.dynamic_gather %select_n3A_223[%gather3A_244] in [0] : vector<16xf32>, vector<16xi32> -> vector<16xf32>
      %max3A_246 = arith.maximumf %select_n3A_223, %gather3A_245 : vector<16xf32>
      %select_n3A_247 = arith.select %eq3A_242, %max3A_246, %select_n3A_223 : vector<16xi1>, vector<16xf32>
      %shift_right_arithmetic3A_248 = arith.constant 3 : i32
      %shift_right_arithmetic3A_249 = vector.broadcast %shift_right_arithmetic3A_248 : i32 to vector<16xi32>
      %shift_right_arithmetic3A_250 = arith.shrsi %gather3A_241, %shift_right_arithmetic3A_249 : vector<16xi32>
      %eq3A_251 = arith.cmpi eq, %shift_right_arithmetic3A_250, %shift_right_arithmetic3A_154 : vector<16xi32>
      %broadcast_in_dim3A_252 = vector.shape_cast %max3A_238 : vector<16xi32> to vector<16x1xi32>
      %gather3A_253 = vector.shape_cast %broadcast_in_dim3A_252 : vector<16x1xi32> to vector<16xi32>
      %gather3A_254 = tpu.dynamic_gather %select_n3A_232[%gather3A_253] in [0] : vector<16xi32>, vector<16xi32> -> vector<16xi32>
      %max3A_255 = arith.maxsi %select_n3A_232, %gather3A_254 : vector<16xi32>
      %select_n3A_256 = arith.select %eq3A_251, %max3A_255, %select_n3A_232 : vector<16xi1>, vector<16xi32>
      %add3A_257 = arith.constant 1 : i32
      %add3A_258 = vector.broadcast %add3A_257 : i32 to vector<16xi32>
      %add3A_259 = arith.addi %iota3A_78, %add3A_258 : vector<16xi32>
      %min3A_260 = arith.constant 15 : i32
      %min3A_261 = vector.broadcast %min3A_260 : i32 to vector<16xi32>
      %min3A_262 = arith.minsi %add3A_259, %min3A_261 : vector<16xi32>
      %broadcast_in_dim3A_263 = vector.shape_cast %min3A_262 : vector<16xi32> to vector<16x1xi32>
      %gather3A_264 = vector.shape_cast %broadcast_in_dim3A_263 : vector<16x1xi32> to vector<16xi32>
      %gather3A_265 = tpu.dynamic_gather %masked_sort3A_152[%gather3A_264] in [0] : vector<16xi32>, vector<16xi32> -> vector<16xi32>
      %eq3A_266 = arith.constant 15 : i32
      %eq3A_267 = vector.broadcast %eq3A_266 : i32 to vector<16xi32>
      %eq3A_268 = arith.cmpi eq, %iota3A_78, %eq3A_267 : vector<16xi32>
      %ne3A_269 = arith.cmpi ne, %gather3A_265, %masked_sort3A_152 : vector<16xi32>
      %or3A = arith.ori %eq3A_268, %ne3A_269 : vector<16xi1>
      %eq3A_270 = arith.constant 15 : i32
      %eq3A_271 = vector.broadcast %eq3A_270 : i32 to vector<16xi32>
      %eq3A_272 = arith.cmpi eq, %iota3A_78, %eq3A_271 : vector<16xi32>
      %shift_right_arithmetic3A_273 = arith.constant 3 : i32
      %shift_right_arithmetic3A_274 = vector.broadcast %shift_right_arithmetic3A_273 : i32 to vector<16xi32>
      %shift_right_arithmetic3A_275 = arith.shrsi %gather3A_265, %shift_right_arithmetic3A_274 : vector<16xi32>
      %ne3A_276 = arith.cmpi ne, %shift_right_arithmetic3A_275, %shift_right_arithmetic3A_154 : vector<16xi32>
      %or3A_277 = arith.ori %eq3A_272, %ne3A_276 : vector<16xi1>
      %lt3A_278 = arith.constant 268435456 : i32
      %lt3A_279 = vector.broadcast %lt3A_278 : i32 to vector<16xi32>
      %lt3A_280 = arith.cmpi slt, %masked_sort3A_152, %lt3A_279 : vector<16xi32>
      %and3A_281 = arith.andi %or3A, %lt3A_280 : vector<16xi1>
      %and3A_282 = arith.andi %or3A_277, %lt3A_280 : vector<16xi1>
      %and3A_283 = arith.constant 7 : i32
      %and3A_284 = vector.broadcast %and3A_283 : i32 to vector<16xi32>
      %and3A_285 = arith.andi %masked_sort3A_152, %and3A_284 : vector<16xi32>
      %jit3A_286 = arith.constant 0 : i32
      %broadcast_in_dim3A_287 = vector.broadcast %jit3A_286 : i32 to vector<16xi32>
      %select_n3A_288 = arith.select %lt3A_280, %shift_right_arithmetic3A_154, %broadcast_in_dim3A_287 : vector<16xi1>, vector<16xi32>
      %broadcast_in_dim3A_289 = vector.shape_cast %select_n3A_256 : vector<16xi32> to vector<16x1xi32>
      %gather3A_290 = vector.shape_cast %broadcast_in_dim3A_289 : vector<16x1xi32> to vector<16xi32>
      %gather3A_291 = tpu.dynamic_gather %gather3A_77[%gather3A_290] in [0] : vector<16xf32>, vector<16xi32> -> vector<16xf32>
      %max3A_292 = arith.constant 0.000000e+00 : f32
      %max3A_293 = vector.broadcast %max3A_292 : f32 to vector<16xf32>
      %max3A_294 = arith.maximumf %gather3A_291, %max3A_293 : vector<16xf32>
      %mul3A_295 = arith.constant 10000 : i32
      %mul3A_296 = vector.broadcast %mul3A_295 : i32 to vector<16xi32>
      %mul3A_297 = arith.muli %and3A_285, %mul3A_296 : vector<16xi32>
      %add3A_298 = arith.addi %mul3A_297, %select_n3A_288 : vector<16xi32>
      %gather3A_299 = tpu.vector_load_idx %arg5[%add3A_298] masked %and3A_281 : memref<60000xf32, #tpu.memory_space<vmem>>[vector<16xi32>], vector<16xf32>, vector<16xi1>
      %max3A_300 = arith.maximumf %gather3A_299, %select_n3A_247 : vector<16xf32>
      tpu.vector_store_idx %arg5[%add3A_298], %max3A_300 masked %and3A_281 : memref<60000xf32, #tpu.memory_space<vmem>>[vector<16xi32>], vector<16xf32>, vector<16xi1>
      %add3A_301 = arith.constant 40000 : i32
      %add3A_302 = vector.broadcast %add3A_301 : i32 to vector<16xi32>
      %add3A_303 = arith.addi %add3A_302, %select_n3A_288 : vector<16xi32>
      tpu.vector_store_idx %arg5[%add3A_303], %max3A_294 masked %and3A_282 : memref<60000xf32, #tpu.memory_space<vmem>>[vector<16xi32>], vector<16xf32>, vector<16xi1>
      %add3A_304 = arith.constant 50000 : i32
      %add3A_305 = vector.broadcast %add3A_304 : i32 to vector<16xi32>
      %add3A_306 = arith.addi %add3A_305, %select_n3A_288 : vector<16xi32>
      tpu.vector_store_idx %arg5[%add3A_306], %broadcast_in_dim3A_39 masked %and3A_282 : memref<60000xf32, #tpu.memory_space<vmem>>[vector<16xi32>], vector<16xf32>, vector<16xi1>
      %scan3A_307 = arith.constant 0 : i32
      scf.yield %scan3A_307 : i32
    }
    %scan3A_46 = arith.constant 157 : i32
    %run_scoped3A = arith.constant 0 : i32
    "tpu.region"() ({
      %run_scoped3A_52 = tpu.sem_alloc : memref<!tpu.dma_semaphore, #tpu.memory_space<semaphore_mem>>
      %dma_start3A = arith.constant 0 : i32
      %dma_start3A_53 = tpu.memref_slice %arg5[%dma_start3A] : memref<60000xf32, #tpu.memory_space<vmem>> -> memref<10000xf32, #tpu.memory_space<vmem>>
      %dma_start3A_54 = arith.constant 0 : i32
      %dma_start3A_55 = tpu.memref_slice %arg3[%select_n3A_30, %run_scoped3A, %select_n3A, %dma_start3A_54] : memref<4x6x8x10000xf32, #tpu.memory_space<hbm>> -> memref<1x1x1x10000xf32, #tpu.memory_space<hbm>>
      %dma_start3A_56 = tpu.memref_squeeze %dma_start3A_55 : memref<1x1x1x10000xf32, #tpu.memory_space<hbm>> -> memref<10000xf32, #tpu.memory_space<hbm>>
      %dma_start3A_57 = arith.constant 0 : i32
      %dma_start3A_58 = tpu.memref_slice %arg3[%select_n3A_30, %run_scoped3A, %select_n3A, %dma_start3A_57] : memref<4x6x8x10000xf32, #tpu.memory_space<hbm>> -> memref<1x1x1x10000xf32, #tpu.memory_space<hbm>>
      %dma_start3A_59 = tpu.memref_squeeze %dma_start3A_58 : memref<1x1x1x10000xf32, #tpu.memory_space<hbm>> -> memref<10000xf32, #tpu.memory_space<hbm>>
      %dma_start3A_60 = arith.constant 0 : i32
      %dma_start3A_61 = tpu.memref_slice %arg5[%dma_start3A_60] : memref<60000xf32, #tpu.memory_space<vmem>> -> memref<10000xf32, #tpu.memory_space<vmem>>
      tpu.enqueue_dma source(%dma_start3A_61 : memref<10000xf32, #tpu.memory_space<vmem>>) target(%dma_start3A_59 : memref<10000xf32, #tpu.memory_space<hbm>>) target_semaphore(%run_scoped3A_52 : memref<!tpu.dma_semaphore, #tpu.memory_space<semaphore_mem>>)
      %dma_wait3A = arith.constant 0 : i32
      %dma_wait3A_62 = tpu.memref_slice %arg5[%dma_wait3A] : memref<60000xf32, #tpu.memory_space<vmem>> -> memref<10000xf32, #tpu.memory_space<vmem>>
      %dma_wait3A_63 = arith.constant 0 : i32
      %dma_wait3A_64 = tpu.memref_slice %arg3[%select_n3A_30, %run_scoped3A, %select_n3A, %dma_wait3A_63] : memref<4x6x8x10000xf32, #tpu.memory_space<hbm>> -> memref<1x1x1x10000xf32, #tpu.memory_space<hbm>>
      %dma_wait3A_65 = tpu.memref_squeeze %dma_wait3A_64 : memref<1x1x1x10000xf32, #tpu.memory_space<hbm>> -> memref<10000xf32, #tpu.memory_space<hbm>>
      %dma_wait3A_66 = arith.constant 0 : i32
      %dma_wait3A_67 = tpu.memref_slice %arg3[%select_n3A_30, %run_scoped3A, %select_n3A, %dma_wait3A_66] : memref<4x6x8x10000xf32, #tpu.memory_space<hbm>> -> memref<1x1x1x10000xf32, #tpu.memory_space<hbm>>
      %dma_wait3A_68 = tpu.memref_squeeze %dma_wait3A_67 : memref<1x1x1x10000xf32, #tpu.memory_space<hbm>> -> memref<10000xf32, #tpu.memory_space<hbm>>
      %dma_wait3A_69 = arith.constant 0 : i32
      %dma_wait3A_70 = tpu.memref_slice %arg5[%dma_wait3A_69] : memref<60000xf32, #tpu.memory_space<vmem>> -> memref<10000xf32, #tpu.memory_space<vmem>>
      tpu.wait_dma2 semaphore(%run_scoped3A_52 : memref<!tpu.dma_semaphore, #tpu.memory_space<semaphore_mem>>) src(%dma_wait3A_70 : memref<10000xf32, #tpu.memory_space<vmem>>) dst(%dma_wait3A_68 : memref<10000xf32, #tpu.memory_space<hbm>>)
      tpu.yield
    }) : () -> ()
    %run_scoped3A_47 = arith.constant 1 : i32
    "tpu.region"() ({
      %run_scoped3A_52 = tpu.sem_alloc : memref<!tpu.dma_semaphore, #tpu.memory_space<semaphore_mem>>
      %dma_start3A = arith.constant 10000 : i32
      %dma_start3A_53 = tpu.memref_slice %arg5[%dma_start3A] : memref<60000xf32, #tpu.memory_space<vmem>> -> memref<10000xf32, #tpu.memory_space<vmem>>
      %dma_start3A_54 = arith.constant 0 : i32
      %dma_start3A_55 = tpu.memref_slice %arg3[%select_n3A_30, %run_scoped3A_47, %select_n3A, %dma_start3A_54] : memref<4x6x8x10000xf32, #tpu.memory_space<hbm>> -> memref<1x1x1x10000xf32, #tpu.memory_space<hbm>>
      %dma_start3A_56 = tpu.memref_squeeze %dma_start3A_55 : memref<1x1x1x10000xf32, #tpu.memory_space<hbm>> -> memref<10000xf32, #tpu.memory_space<hbm>>
      %dma_start3A_57 = arith.constant 0 : i32
      %dma_start3A_58 = tpu.memref_slice %arg3[%select_n3A_30, %run_scoped3A_47, %select_n3A, %dma_start3A_57] : memref<4x6x8x10000xf32, #tpu.memory_space<hbm>> -> memref<1x1x1x10000xf32, #tpu.memory_space<hbm>>
      %dma_start3A_59 = tpu.memref_squeeze %dma_start3A_58 : memref<1x1x1x10000xf32, #tpu.memory_space<hbm>> -> memref<10000xf32, #tpu.memory_space<hbm>>
      %dma_start3A_60 = arith.constant 10000 : i32
      %dma_start3A_61 = tpu.memref_slice %arg5[%dma_start3A_60] : memref<60000xf32, #tpu.memory_space<vmem>> -> memref<10000xf32, #tpu.memory_space<vmem>>
      tpu.enqueue_dma source(%dma_start3A_61 : memref<10000xf32, #tpu.memory_space<vmem>>) target(%dma_start3A_59 : memref<10000xf32, #tpu.memory_space<hbm>>) target_semaphore(%run_scoped3A_52 : memref<!tpu.dma_semaphore, #tpu.memory_space<semaphore_mem>>)
      %dma_wait3A = arith.constant 10000 : i32
      %dma_wait3A_62 = tpu.memref_slice %arg5[%dma_wait3A] : memref<60000xf32, #tpu.memory_space<vmem>> -> memref<10000xf32, #tpu.memory_space<vmem>>
      %dma_wait3A_63 = arith.constant 0 : i32
      %dma_wait3A_64 = tpu.memref_slice %arg3[%select_n3A_30, %run_scoped3A_47, %select_n3A, %dma_wait3A_63] : memref<4x6x8x10000xf32, #tpu.memory_space<hbm>> -> memref<1x1x1x10000xf32, #tpu.memory_space<hbm>>
      %dma_wait3A_65 = tpu.memref_squeeze %dma_wait3A_64 : memref<1x1x1x10000xf32, #tpu.memory_space<hbm>> -> memref<10000xf32, #tpu.memory_space<hbm>>
      %dma_wait3A_66 = arith.constant 0 : i32
      %dma_wait3A_67 = tpu.memref_slice %arg3[%select_n3A_30, %run_scoped3A_47, %select_n3A, %dma_wait3A_66] : memref<4x6x8x10000xf32, #tpu.memory_space<hbm>> -> memref<1x1x1x10000xf32, #tpu.memory_space<hbm>>
      %dma_wait3A_68 = tpu.memref_squeeze %dma_wait3A_67 : memref<1x1x1x10000xf32, #tpu.memory_space<hbm>> -> memref<10000xf32, #tpu.memory_space<hbm>>
      %dma_wait3A_69 = arith.constant 10000 : i32
      %dma_wait3A_70 = tpu.memref_slice %arg5[%dma_wait3A_69] : memref<60000xf32, #tpu.memory_space<vmem>> -> memref<10000xf32, #tpu.memory_space<vmem>>
      tpu.wait_dma2 semaphore(%run_scoped3A_52 : memref<!tpu.dma_semaphore, #tpu.memory_space<semaphore_mem>>) src(%dma_wait3A_70 : memref<10000xf32, #tpu.memory_space<vmem>>) dst(%dma_wait3A_68 : memref<10000xf32, #tpu.memory_space<hbm>>)
      tpu.yield
    }) : () -> ()
    %run_scoped3A_48 = arith.constant 2 : i32
    "tpu.region"() ({
      %run_scoped3A_52 = tpu.sem_alloc : memref<!tpu.dma_semaphore, #tpu.memory_space<semaphore_mem>>
      %dma_start3A = arith.constant 20000 : i32
      %dma_start3A_53 = tpu.memref_slice %arg5[%dma_start3A] : memref<60000xf32, #tpu.memory_space<vmem>> -> memref<10000xf32, #tpu.memory_space<vmem>>
      %dma_start3A_54 = arith.constant 0 : i32
      %dma_start3A_55 = tpu.memref_slice %arg3[%select_n3A_30, %run_scoped3A_48, %select_n3A, %dma_start3A_54] : memref<4x6x8x10000xf32, #tpu.memory_space<hbm>> -> memref<1x1x1x10000xf32, #tpu.memory_space<hbm>>
      %dma_start3A_56 = tpu.memref_squeeze %dma_start3A_55 : memref<1x1x1x10000xf32, #tpu.memory_space<hbm>> -> memref<10000xf32, #tpu.memory_space<hbm>>
      %dma_start3A_57 = arith.constant 0 : i32
      %dma_start3A_58 = tpu.memref_slice %arg3[%select_n3A_30, %run_scoped3A_48, %select_n3A, %dma_start3A_57] : memref<4x6x8x10000xf32, #tpu.memory_space<hbm>> -> memref<1x1x1x10000xf32, #tpu.memory_space<hbm>>
      %dma_start3A_59 = tpu.memref_squeeze %dma_start3A_58 : memref<1x1x1x10000xf32, #tpu.memory_space<hbm>> -> memref<10000xf32, #tpu.memory_space<hbm>>
      %dma_start3A_60 = arith.constant 20000 : i32
      %dma_start3A_61 = tpu.memref_slice %arg5[%dma_start3A_60] : memref<60000xf32, #tpu.memory_space<vmem>> -> memref<10000xf32, #tpu.memory_space<vmem>>
      tpu.enqueue_dma source(%dma_start3A_61 : memref<10000xf32, #tpu.memory_space<vmem>>) target(%dma_start3A_59 : memref<10000xf32, #tpu.memory_space<hbm>>) target_semaphore(%run_scoped3A_52 : memref<!tpu.dma_semaphore, #tpu.memory_space<semaphore_mem>>)
      %dma_wait3A = arith.constant 20000 : i32
      %dma_wait3A_62 = tpu.memref_slice %arg5[%dma_wait3A] : memref<60000xf32, #tpu.memory_space<vmem>> -> memref<10000xf32, #tpu.memory_space<vmem>>
      %dma_wait3A_63 = arith.constant 0 : i32
      %dma_wait3A_64 = tpu.memref_slice %arg3[%select_n3A_30, %run_scoped3A_48, %select_n3A, %dma_wait3A_63] : memref<4x6x8x10000xf32, #tpu.memory_space<hbm>> -> memref<1x1x1x10000xf32, #tpu.memory_space<hbm>>
      %dma_wait3A_65 = tpu.memref_squeeze %dma_wait3A_64 : memref<1x1x1x10000xf32, #tpu.memory_space<hbm>> -> memref<10000xf32, #tpu.memory_space<hbm>>
      %dma_wait3A_66 = arith.constant 0 : i32
      %dma_wait3A_67 = tpu.memref_slice %arg3[%select_n3A_30, %run_scoped3A_48, %select_n3A, %dma_wait3A_66] : memref<4x6x8x10000xf32, #tpu.memory_space<hbm>> -> memref<1x1x1x10000xf32, #tpu.memory_space<hbm>>
      %dma_wait3A_68 = tpu.memref_squeeze %dma_wait3A_67 : memref<1x1x1x10000xf32, #tpu.memory_space<hbm>> -> memref<10000xf32, #tpu.memory_space<hbm>>
      %dma_wait3A_69 = arith.constant 20000 : i32
      %dma_wait3A_70 = tpu.memref_slice %arg5[%dma_wait3A_69] : memref<60000xf32, #tpu.memory_space<vmem>> -> memref<10000xf32, #tpu.memory_space<vmem>>
      tpu.wait_dma2 semaphore(%run_scoped3A_52 : memref<!tpu.dma_semaphore, #tpu.memory_space<semaphore_mem>>) src(%dma_wait3A_70 : memref<10000xf32, #tpu.memory_space<vmem>>) dst(%dma_wait3A_68 : memref<10000xf32, #tpu.memory_space<hbm>>)
      tpu.yield
    }) : () -> ()
    %run_scoped3A_49 = arith.constant 3 : i32
    "tpu.region"() ({
      %run_scoped3A_52 = tpu.sem_alloc : memref<!tpu.dma_semaphore, #tpu.memory_space<semaphore_mem>>
      %dma_start3A = arith.constant 30000 : i32
      %dma_start3A_53 = tpu.memref_slice %arg5[%dma_start3A] : memref<60000xf32, #tpu.memory_space<vmem>> -> memref<10000xf32, #tpu.memory_space<vmem>>
      %dma_start3A_54 = arith.constant 0 : i32
      %dma_start3A_55 = tpu.memref_slice %arg3[%select_n3A_30, %run_scoped3A_49, %select_n3A, %dma_start3A_54] : memref<4x6x8x10000xf32, #tpu.memory_space<hbm>> -> memref<1x1x1x10000xf32, #tpu.memory_space<hbm>>
      %dma_start3A_56 = tpu.memref_squeeze %dma_start3A_55 : memref<1x1x1x10000xf32, #tpu.memory_space<hbm>> -> memref<10000xf32, #tpu.memory_space<hbm>>
      %dma_start3A_57 = arith.constant 0 : i32
      %dma_start3A_58 = tpu.memref_slice %arg3[%select_n3A_30, %run_scoped3A_49, %select_n3A, %dma_start3A_57] : memref<4x6x8x10000xf32, #tpu.memory_space<hbm>> -> memref<1x1x1x10000xf32, #tpu.memory_space<hbm>>
      %dma_start3A_59 = tpu.memref_squeeze %dma_start3A_58 : memref<1x1x1x10000xf32, #tpu.memory_space<hbm>> -> memref<10000xf32, #tpu.memory_space<hbm>>
      %dma_start3A_60 = arith.constant 30000 : i32
      %dma_start3A_61 = tpu.memref_slice %arg5[%dma_start3A_60] : memref<60000xf32, #tpu.memory_space<vmem>> -> memref<10000xf32, #tpu.memory_space<vmem>>
      tpu.enqueue_dma source(%dma_start3A_61 : memref<10000xf32, #tpu.memory_space<vmem>>) target(%dma_start3A_59 : memref<10000xf32, #tpu.memory_space<hbm>>) target_semaphore(%run_scoped3A_52 : memref<!tpu.dma_semaphore, #tpu.memory_space<semaphore_mem>>)
      %dma_wait3A = arith.constant 30000 : i32
      %dma_wait3A_62 = tpu.memref_slice %arg5[%dma_wait3A] : memref<60000xf32, #tpu.memory_space<vmem>> -> memref<10000xf32, #tpu.memory_space<vmem>>
      %dma_wait3A_63 = arith.constant 0 : i32
      %dma_wait3A_64 = tpu.memref_slice %arg3[%select_n3A_30, %run_scoped3A_49, %select_n3A, %dma_wait3A_63] : memref<4x6x8x10000xf32, #tpu.memory_space<hbm>> -> memref<1x1x1x10000xf32, #tpu.memory_space<hbm>>
      %dma_wait3A_65 = tpu.memref_squeeze %dma_wait3A_64 : memref<1x1x1x10000xf32, #tpu.memory_space<hbm>> -> memref<10000xf32, #tpu.memory_space<hbm>>
      %dma_wait3A_66 = arith.constant 0 : i32
      %dma_wait3A_67 = tpu.memref_slice %arg3[%select_n3A_30, %run_scoped3A_49, %select_n3A, %dma_wait3A_66] : memref<4x6x8x10000xf32, #tpu.memory_space<hbm>> -> memref<1x1x1x10000xf32, #tpu.memory_space<hbm>>
      %dma_wait3A_68 = tpu.memref_squeeze %dma_wait3A_67 : memref<1x1x1x10000xf32, #tpu.memory_space<hbm>> -> memref<10000xf32, #tpu.memory_space<hbm>>
      %dma_wait3A_69 = arith.constant 30000 : i32
      %dma_wait3A_70 = tpu.memref_slice %arg5[%dma_wait3A_69] : memref<60000xf32, #tpu.memory_space<vmem>> -> memref<10000xf32, #tpu.memory_space<vmem>>
      tpu.wait_dma2 semaphore(%run_scoped3A_52 : memref<!tpu.dma_semaphore, #tpu.memory_space<semaphore_mem>>) src(%dma_wait3A_70 : memref<10000xf32, #tpu.memory_space<vmem>>) dst(%dma_wait3A_68 : memref<10000xf32, #tpu.memory_space<hbm>>)
      tpu.yield
    }) : () -> ()
    %run_scoped3A_50 = arith.constant 4 : i32
    "tpu.region"() ({
      %run_scoped3A_52 = tpu.sem_alloc : memref<!tpu.dma_semaphore, #tpu.memory_space<semaphore_mem>>
      %dma_start3A = arith.constant 40000 : i32
      %dma_start3A_53 = tpu.memref_slice %arg5[%dma_start3A] : memref<60000xf32, #tpu.memory_space<vmem>> -> memref<10000xf32, #tpu.memory_space<vmem>>
      %dma_start3A_54 = arith.constant 0 : i32
      %dma_start3A_55 = tpu.memref_slice %arg3[%select_n3A_30, %run_scoped3A_50, %select_n3A, %dma_start3A_54] : memref<4x6x8x10000xf32, #tpu.memory_space<hbm>> -> memref<1x1x1x10000xf32, #tpu.memory_space<hbm>>
      %dma_start3A_56 = tpu.memref_squeeze %dma_start3A_55 : memref<1x1x1x10000xf32, #tpu.memory_space<hbm>> -> memref<10000xf32, #tpu.memory_space<hbm>>
      %dma_start3A_57 = arith.constant 0 : i32
      %dma_start3A_58 = tpu.memref_slice %arg3[%select_n3A_30, %run_scoped3A_50, %select_n3A, %dma_start3A_57] : memref<4x6x8x10000xf32, #tpu.memory_space<hbm>> -> memref<1x1x1x10000xf32, #tpu.memory_space<hbm>>
      %dma_start3A_59 = tpu.memref_squeeze %dma_start3A_58 : memref<1x1x1x10000xf32, #tpu.memory_space<hbm>> -> memref<10000xf32, #tpu.memory_space<hbm>>
      %dma_start3A_60 = arith.constant 40000 : i32
      %dma_start3A_61 = tpu.memref_slice %arg5[%dma_start3A_60] : memref<60000xf32, #tpu.memory_space<vmem>> -> memref<10000xf32, #tpu.memory_space<vmem>>
      tpu.enqueue_dma source(%dma_start3A_61 : memref<10000xf32, #tpu.memory_space<vmem>>) target(%dma_start3A_59 : memref<10000xf32, #tpu.memory_space<hbm>>) target_semaphore(%run_scoped3A_52 : memref<!tpu.dma_semaphore, #tpu.memory_space<semaphore_mem>>)
      %dma_wait3A = arith.constant 40000 : i32
      %dma_wait3A_62 = tpu.memref_slice %arg5[%dma_wait3A] : memref<60000xf32, #tpu.memory_space<vmem>> -> memref<10000xf32, #tpu.memory_space<vmem>>
      %dma_wait3A_63 = arith.constant 0 : i32
      %dma_wait3A_64 = tpu.memref_slice %arg3[%select_n3A_30, %run_scoped3A_50, %select_n3A, %dma_wait3A_63] : memref<4x6x8x10000xf32, #tpu.memory_space<hbm>> -> memref<1x1x1x10000xf32, #tpu.memory_space<hbm>>
      %dma_wait3A_65 = tpu.memref_squeeze %dma_wait3A_64 : memref<1x1x1x10000xf32, #tpu.memory_space<hbm>> -> memref<10000xf32, #tpu.memory_space<hbm>>
      %dma_wait3A_66 = arith.constant 0 : i32
      %dma_wait3A_67 = tpu.memref_slice %arg3[%select_n3A_30, %run_scoped3A_50, %select_n3A, %dma_wait3A_66] : memref<4x6x8x10000xf32, #tpu.memory_space<hbm>> -> memref<1x1x1x10000xf32, #tpu.memory_space<hbm>>
      %dma_wait3A_68 = tpu.memref_squeeze %dma_wait3A_67 : memref<1x1x1x10000xf32, #tpu.memory_space<hbm>> -> memref<10000xf32, #tpu.memory_space<hbm>>
      %dma_wait3A_69 = arith.constant 40000 : i32
      %dma_wait3A_70 = tpu.memref_slice %arg5[%dma_wait3A_69] : memref<60000xf32, #tpu.memory_space<vmem>> -> memref<10000xf32, #tpu.memory_space<vmem>>
      tpu.wait_dma2 semaphore(%run_scoped3A_52 : memref<!tpu.dma_semaphore, #tpu.memory_space<semaphore_mem>>) src(%dma_wait3A_70 : memref<10000xf32, #tpu.memory_space<vmem>>) dst(%dma_wait3A_68 : memref<10000xf32, #tpu.memory_space<hbm>>)
      tpu.yield
    }) : () -> ()
    %run_scoped3A_51 = arith.constant 5 : i32
    "tpu.region"() ({
      %run_scoped3A_52 = tpu.sem_alloc : memref<!tpu.dma_semaphore, #tpu.memory_space<semaphore_mem>>
      %dma_start3A = arith.constant 50000 : i32
      %dma_start3A_53 = tpu.memref_slice %arg5[%dma_start3A] : memref<60000xf32, #tpu.memory_space<vmem>> -> memref<10000xf32, #tpu.memory_space<vmem>>
      %dma_start3A_54 = arith.constant 0 : i32
      %dma_start3A_55 = tpu.memref_slice %arg3[%select_n3A_30, %run_scoped3A_51, %select_n3A, %dma_start3A_54] : memref<4x6x8x10000xf32, #tpu.memory_space<hbm>> -> memref<1x1x1x10000xf32, #tpu.memory_space<hbm>>
      %dma_start3A_56 = tpu.memref_squeeze %dma_start3A_55 : memref<1x1x1x10000xf32, #tpu.memory_space<hbm>> -> memref<10000xf32, #tpu.memory_space<hbm>>
      %dma_start3A_57 = arith.constant 0 : i32
      %dma_start3A_58 = tpu.memref_slice %arg3[%select_n3A_30, %run_scoped3A_51, %select_n3A, %dma_start3A_57] : memref<4x6x8x10000xf32, #tpu.memory_space<hbm>> -> memref<1x1x1x10000xf32, #tpu.memory_space<hbm>>
      %dma_start3A_59 = tpu.memref_squeeze %dma_start3A_58 : memref<1x1x1x10000xf32, #tpu.memory_space<hbm>> -> memref<10000xf32, #tpu.memory_space<hbm>>
      %dma_start3A_60 = arith.constant 50000 : i32
      %dma_start3A_61 = tpu.memref_slice %arg5[%dma_start3A_60] : memref<60000xf32, #tpu.memory_space<vmem>> -> memref<10000xf32, #tpu.memory_space<vmem>>
      tpu.enqueue_dma source(%dma_start3A_61 : memref<10000xf32, #tpu.memory_space<vmem>>) target(%dma_start3A_59 : memref<10000xf32, #tpu.memory_space<hbm>>) target_semaphore(%run_scoped3A_52 : memref<!tpu.dma_semaphore, #tpu.memory_space<semaphore_mem>>)
      %dma_wait3A = arith.constant 50000 : i32
      %dma_wait3A_62 = tpu.memref_slice %arg5[%dma_wait3A] : memref<60000xf32, #tpu.memory_space<vmem>> -> memref<10000xf32, #tpu.memory_space<vmem>>
      %dma_wait3A_63 = arith.constant 0 : i32
      %dma_wait3A_64 = tpu.memref_slice %arg3[%select_n3A_30, %run_scoped3A_51, %select_n3A, %dma_wait3A_63] : memref<4x6x8x10000xf32, #tpu.memory_space<hbm>> -> memref<1x1x1x10000xf32, #tpu.memory_space<hbm>>
      %dma_wait3A_65 = tpu.memref_squeeze %dma_wait3A_64 : memref<1x1x1x10000xf32, #tpu.memory_space<hbm>> -> memref<10000xf32, #tpu.memory_space<hbm>>
      %dma_wait3A_66 = arith.constant 0 : i32
      %dma_wait3A_67 = tpu.memref_slice %arg3[%select_n3A_30, %run_scoped3A_51, %select_n3A, %dma_wait3A_66] : memref<4x6x8x10000xf32, #tpu.memory_space<hbm>> -> memref<1x1x1x10000xf32, #tpu.memory_space<hbm>>
      %dma_wait3A_68 = tpu.memref_squeeze %dma_wait3A_67 : memref<1x1x1x10000xf32, #tpu.memory_space<hbm>> -> memref<10000xf32, #tpu.memory_space<hbm>>
      %dma_wait3A_69 = arith.constant 50000 : i32
      %dma_wait3A_70 = tpu.memref_slice %arg5[%dma_wait3A_69] : memref<60000xf32, #tpu.memory_space<vmem>> -> memref<10000xf32, #tpu.memory_space<vmem>>
      tpu.wait_dma2 semaphore(%run_scoped3A_52 : memref<!tpu.dma_semaphore, #tpu.memory_space<semaphore_mem>>) src(%dma_wait3A_70 : memref<10000xf32, #tpu.memory_space<vmem>>) dst(%dma_wait3A_68 : memref<10000xf32, #tpu.memory_space<hbm>>)
      tpu.yield
    }) : () -> ()
    return
  }
}

module attributes {stable_mosaic.version = 14 : i64} {
  func.func @_tc1_body(%arg0: memref<4x6x8x10000xf32, #tpu.memory_space<vmem>>, %arg1: memref<3x3x32x5xf32, #tpu.memory_space<vmem>>, %arg2: memref<32x1xf32, #tpu.memory_space<vmem>>, %arg3: memref<32x1xf32, #tpu.memory_space<vmem>>, %arg4: memref<3x3x64x32xf32, #tpu.memory_space<vmem>>, %arg5: memref<64x40960xf32, #tpu.memory_space<vmem>>, %arg6: memref<64x1xf32, #tpu.memory_space<vmem>>, %arg7: memref<64x1xf32, #tpu.memory_space<vmem>>, %arg8: memref<5x41472xf32, #tpu.memory_space<vmem>>, %arg9: memref<32x41472xf32, #tpu.memory_space<vmem>>) attributes {dimension_semantics = [], scalar_prefetch = 0 : i64, scratch_operands = 2 : i64, tpu.core_type = #tpu.core_type<tc>} {
    %broadcast_in_dim3A = arith.constant 0.000000e+00 : f32
    %broadcast_in_dim3A_0 = vector.broadcast %broadcast_in_dim3A : f32 to vector<5x256xf32>
    %swap3A = arith.constant 0 : index
    %swap3A_1 = arith.constant 0 : index
    %swap3A_2 = vector.load %arg8[%swap3A, %swap3A_1] : memref<5x41472xf32, #tpu.memory_space<vmem>>, vector<5x256xf32>
    tpu.vector_store %arg8[%swap3A, %swap3A_1], %broadcast_in_dim3A_0 {strides = array<i32>} : memref<5x41472xf32, #tpu.memory_space<vmem>>, vector<5x256xf32>,
    %broadcast_in_dim3A_3 = arith.constant 0.000000e+00 : f32
    %broadcast_in_dim3A_4 = vector.broadcast %broadcast_in_dim3A_3 : f32 to vector<5x1216xf32>
    %swap3A_5 = arith.constant 0 : index
    %swap3A_6 = arith.constant 40256 : index
    %swap3A_7 = vector.load %arg8[%swap3A_5, %swap3A_6] : memref<5x41472xf32, #tpu.memory_space<vmem>>, vector<5x1216xf32>
    tpu.vector_store %arg8[%swap3A_5, %swap3A_6], %broadcast_in_dim3A_4 {strides = array<i32>} : memref<5x41472xf32, #tpu.memory_space<vmem>>, vector<5x1216xf32>,
    %broadcast_in_dim3A_8 = arith.constant 0.000000e+00 : f32
    %broadcast_in_dim3A_9 = vector.broadcast %broadcast_in_dim3A_8 : f32 to vector<32x256xf32>
    %swap3A_10 = arith.constant 0 : index
    %swap3A_11 = arith.constant 0 : index
    %swap3A_12 = vector.load %arg9[%swap3A_10, %swap3A_11] : memref<32x41472xf32, #tpu.memory_space<vmem>>, vector<32x256xf32>
    tpu.vector_store %arg9[%swap3A_10, %swap3A_11], %broadcast_in_dim3A_9 {strides = array<i32>} : memref<32x41472xf32, #tpu.memory_space<vmem>>, vector<32x256xf32>,
    %get3A = arith.constant 0 : index
    %get3A_13 = arith.constant 0 : index
    %get3A_14 = arith.constant 0 : index
    %get3A_15 = arith.constant 0 : index
    %get3A_16 = vector.load %arg0[%get3A, %get3A_13, %get3A_14, %get3A_15] : memref<4x6x8x10000xf32, #tpu.memory_space<vmem>>, vector<1x1x8x10000xf32>
    %get3A_17 = vector.shape_cast %get3A_16 : vector<1x1x8x10000xf32> to vector<8x10000xf32>
    %reduce_max3A = arith.constant dense<0xFF800000> : vector<10000xf32>
    %reduce_max3A_18 = vector.multi_reduction <maximumf>, %get3A_17, %reduce_max3A [0] : vector<8x10000xf32> to vector<10000xf32>
    %broadcast_in_dim3A_19 = vector.shape_cast %reduce_max3A_18 : vector<10000xf32> to vector<1x10000xf32>
    %swap3A_20 = arith.constant 0 : index
    %swap3A_21 = arith.constant 256 : index
    %swap3A_22 = vector.load %arg8[%swap3A_20, %swap3A_21] : memref<5x41472xf32, #tpu.memory_space<vmem>>, vector<1x10000xf32>
    tpu.vector_store %arg8[%swap3A_20, %swap3A_21], %broadcast_in_dim3A_19 {strides = array<i32>} : memref<5x41472xf32, #tpu.memory_space<vmem>>, vector<1x10000xf32>,
    %get3A_23 = arith.constant 0 : index
    %get3A_24 = arith.constant 1 : index
    %get3A_25 = arith.constant 0 : index
    %get3A_26 = arith.constant 0 : index
    %get3A_27 = vector.load %arg0[%get3A_23, %get3A_24, %get3A_25, %get3A_26] : memref<4x6x8x10000xf32, #tpu.memory_space<vmem>>, vector<1x1x8x10000xf32>
    %get3A_28 = vector.shape_cast %get3A_27 : vector<1x1x8x10000xf32> to vector<8x10000xf32>
    %reduce_max3A_29 = arith.constant dense<0xFF800000> : vector<10000xf32>
    %reduce_max3A_30 = vector.multi_reduction <maximumf>, %get3A_28, %reduce_max3A_29 [0] : vector<8x10000xf32> to vector<10000xf32>
    %broadcast_in_dim3A_31 = vector.shape_cast %reduce_max3A_30 : vector<10000xf32> to vector<1x10000xf32>
    %swap3A_32 = arith.constant 1 : index
    %swap3A_33 = arith.constant 256 : index
    %swap3A_34 = vector.load %arg8[%swap3A_32, %swap3A_33] : memref<5x41472xf32, #tpu.memory_space<vmem>>, vector<1x10000xf32>
    tpu.vector_store %arg8[%swap3A_32, %swap3A_33], %broadcast_in_dim3A_31 {strides = array<i32>} : memref<5x41472xf32, #tpu.memory_space<vmem>>, vector<1x10000xf32>,
    %get3A_35 = arith.constant 0 : index
    %get3A_36 = arith.constant 2 : index
    %get3A_37 = arith.constant 0 : index
    %get3A_38 = arith.constant 0 : index
    %get3A_39 = vector.load %arg0[%get3A_35, %get3A_36, %get3A_37, %get3A_38] : memref<4x6x8x10000xf32, #tpu.memory_space<vmem>>, vector<1x1x8x10000xf32>
    %get3A_40 = vector.shape_cast %get3A_39 : vector<1x1x8x10000xf32> to vector<8x10000xf32>
    %reduce_max3A_41 = arith.constant dense<0xFF800000> : vector<10000xf32>
    %reduce_max3A_42 = vector.multi_reduction <maximumf>, %get3A_40, %reduce_max3A_41 [0] : vector<8x10000xf32> to vector<10000xf32>
    %broadcast_in_dim3A_43 = vector.shape_cast %reduce_max3A_42 : vector<10000xf32> to vector<1x10000xf32>
    %swap3A_44 = arith.constant 2 : index
    %swap3A_45 = arith.constant 256 : index
    %swap3A_46 = vector.load %arg8[%swap3A_44, %swap3A_45] : memref<5x41472xf32, #tpu.memory_space<vmem>>, vector<1x10000xf32>
    tpu.vector_store %arg8[%swap3A_44, %swap3A_45], %broadcast_in_dim3A_43 {strides = array<i32>} : memref<5x41472xf32, #tpu.memory_space<vmem>>, vector<1x10000xf32>,
    %get3A_47 = arith.constant 0 : index
    %get3A_48 = arith.constant 3 : index
    %get3A_49 = arith.constant 0 : index
    %get3A_50 = arith.constant 0 : index
    %get3A_51 = vector.load %arg0[%get3A_47, %get3A_48, %get3A_49, %get3A_50] : memref<4x6x8x10000xf32, #tpu.memory_space<vmem>>, vector<1x1x8x10000xf32>
    %get3A_52 = vector.shape_cast %get3A_51 : vector<1x1x8x10000xf32> to vector<8x10000xf32>
    %reduce_max3A_53 = arith.constant dense<0xFF800000> : vector<10000xf32>
    %reduce_max3A_54 = vector.multi_reduction <maximumf>, %get3A_52, %reduce_max3A_53 [0] : vector<8x10000xf32> to vector<10000xf32>
    %broadcast_in_dim3A_55 = vector.shape_cast %reduce_max3A_54 : vector<10000xf32> to vector<1x10000xf32>
    %swap3A_56 = arith.constant 3 : index
    %swap3A_57 = arith.constant 256 : index
    %swap3A_58 = vector.load %arg8[%swap3A_56, %swap3A_57] : memref<5x41472xf32, #tpu.memory_space<vmem>>, vector<1x10000xf32>
    tpu.vector_store %arg8[%swap3A_56, %swap3A_57], %broadcast_in_dim3A_55 {strides = array<i32>} : memref<5x41472xf32, #tpu.memory_space<vmem>>, vector<1x10000xf32>,
    %get3A_59 = arith.constant 0 : index
    %get3A_60 = arith.constant 4 : index
    %get3A_61 = arith.constant 0 : index
    %get3A_62 = arith.constant 0 : index
    %get3A_63 = vector.load %arg0[%get3A_59, %get3A_60, %get3A_61, %get3A_62] : memref<4x6x8x10000xf32, #tpu.memory_space<vmem>>, vector<1x1x8x10000xf32>
    %get3A_64 = vector.shape_cast %get3A_63 : vector<1x1x8x10000xf32> to vector<8x10000xf32>
    %get3A_65 = arith.constant 0 : index
    %get3A_66 = arith.constant 5 : index
    %get3A_67 = arith.constant 0 : index
    %get3A_68 = arith.constant 0 : index
    %get3A_69 = vector.load %arg0[%get3A_65, %get3A_66, %get3A_67, %get3A_68] : memref<4x6x8x10000xf32, #tpu.memory_space<vmem>>, vector<1x1x8x10000xf32>
    %get3A_70 = vector.shape_cast %get3A_69 : vector<1x1x8x10000xf32> to vector<8x10000xf32>
    %iota3A = tpu.iota {dimensions = array<i32: 0>} : vector<8x10000xi32>
    %gt3A = arith.constant 0.000000e+00 : f32
    %gt3A_71 = vector.broadcast %gt3A : f32 to vector<8x10000xf32>
    %gt3A_72 = arith.cmpf ogt, %get3A_70, %gt3A_71 : vector<8x10000xf32>
    %jit3A = arith.constant -1 : i32
    %broadcast_in_dim3A_73 = vector.broadcast %jit3A : i32 to vector<8x10000xi32>
    %select_n3A = arith.select %gt3A_72, %iota3A, %broadcast_in_dim3A_73 : vector<8x10000xi1>, vector<8x10000xi32>
    %reduce_max3A_74 = arith.constant dense<-2147483648> : vector<10000xi32>
    %reduce_max3A_75 = vector.multi_reduction <maxsi>, %select_n3A, %reduce_max3A_74 [0] : vector<8x10000xi32> to vector<10000xi32>
    %broadcast_in_dim3A_76 = vector.shape_cast %reduce_max3A_75 : vector<10000xi32> to vector<1x10000xi32>
    %eq3A = vector.broadcast %broadcast_in_dim3A_76 : vector<1x10000xi32> to vector<8x10000xi32>
    %eq3A_77 = arith.cmpi eq, %select_n3A, %eq3A : vector<8x10000xi32>
    %ge3A = arith.constant 0 : i32
    %ge3A_78 = vector.broadcast %ge3A : i32 to vector<8x10000xi32>
    %ge3A_79 = arith.cmpi sge, %select_n3A, %ge3A_78 : vector<8x10000xi32>
    %and3A = arith.andi %eq3A_77, %ge3A_79 : vector<8x10000xi1>
    %broadcast_in_dim3A_80 = arith.constant 0.000000e+00 : f32
    %broadcast_in_dim3A_81 = vector.broadcast %broadcast_in_dim3A_80 : f32 to vector<8x10000xf32>
    %select_n3A_82 = arith.select %and3A, %get3A_64, %broadcast_in_dim3A_81 : vector<8x10000xi1>, vector<8x10000xf32>
    %reduce_sum3A = arith.constant dense<0.000000e+00> : vector<10000xf32>
    %reduce_sum3A_83 = vector.multi_reduction <add>, %select_n3A_82, %reduce_sum3A [0] : vector<8x10000xf32> to vector<10000xf32>
    %broadcast_in_dim3A_84 = vector.shape_cast %reduce_sum3A_83 : vector<10000xf32> to vector<1x10000xf32>
    %swap3A_85 = arith.constant 4 : index
    %swap3A_86 = arith.constant 256 : index
    %swap3A_87 = vector.load %arg8[%swap3A_85, %swap3A_86] : memref<5x41472xf32, #tpu.memory_space<vmem>>, vector<1x10000xf32>
    tpu.vector_store %arg8[%swap3A_85, %swap3A_86], %broadcast_in_dim3A_84 {strides = array<i32>} : memref<5x41472xf32, #tpu.memory_space<vmem>>, vector<1x10000xf32>,
    %get3A_88 = arith.constant 1 : index
    %get3A_89 = arith.constant 0 : index
    %get3A_90 = arith.constant 0 : index
    %get3A_91 = arith.constant 0 : index
    %get3A_92 = vector.load %arg0[%get3A_88, %get3A_89, %get3A_90, %get3A_91] : memref<4x6x8x10000xf32, #tpu.memory_space<vmem>>, vector<1x1x8x10000xf32>
    %get3A_93 = vector.shape_cast %get3A_92 : vector<1x1x8x10000xf32> to vector<8x10000xf32>
    %reduce_max3A_94 = arith.constant dense<0xFF800000> : vector<10000xf32>
    %reduce_max3A_95 = vector.multi_reduction <maximumf>, %get3A_93, %reduce_max3A_94 [0] : vector<8x10000xf32> to vector<10000xf32>
    %broadcast_in_dim3A_96 = vector.shape_cast %reduce_max3A_95 : vector<10000xf32> to vector<1x10000xf32>
    %swap3A_97 = arith.constant 0 : index
    %swap3A_98 = arith.constant 10256 : index
    %swap3A_99 = vector.load %arg8[%swap3A_97, %swap3A_98] : memref<5x41472xf32, #tpu.memory_space<vmem>>, vector<1x10000xf32>
    tpu.vector_store %arg8[%swap3A_97, %swap3A_98], %broadcast_in_dim3A_96 {strides = array<i32>} : memref<5x41472xf32, #tpu.memory_space<vmem>>, vector<1x10000xf32>,
    %get3A_100 = arith.constant 1 : index
    %get3A_101 = arith.constant 1 : index
    %get3A_102 = arith.constant 0 : index
    %get3A_103 = arith.constant 0 : index
    %get3A_104 = vector.load %arg0[%get3A_100, %get3A_101, %get3A_102, %get3A_103] : memref<4x6x8x10000xf32, #tpu.memory_space<vmem>>, vector<1x1x8x10000xf32>
    %get3A_105 = vector.shape_cast %get3A_104 : vector<1x1x8x10000xf32> to vector<8x10000xf32>
    %reduce_max3A_106 = arith.constant dense<0xFF800000> : vector<10000xf32>
    %reduce_max3A_107 = vector.multi_reduction <maximumf>, %get3A_105, %reduce_max3A_106 [0] : vector<8x10000xf32> to vector<10000xf32>
    %broadcast_in_dim3A_108 = vector.shape_cast %reduce_max3A_107 : vector<10000xf32> to vector<1x10000xf32>
    %swap3A_109 = arith.constant 1 : index
    %swap3A_110 = arith.constant 10256 : index
    %swap3A_111 = vector.load %arg8[%swap3A_109, %swap3A_110] : memref<5x41472xf32, #tpu.memory_space<vmem>>, vector<1x10000xf32>
    tpu.vector_store %arg8[%swap3A_109, %swap3A_110], %broadcast_in_dim3A_108 {strides = array<i32>} : memref<5x41472xf32, #tpu.memory_space<vmem>>, vector<1x10000xf32>,
    %get3A_112 = arith.constant 1 : index
    %get3A_113 = arith.constant 2 : index
    %get3A_114 = arith.constant 0 : index
    %get3A_115 = arith.constant 0 : index
    %get3A_116 = vector.load %arg0[%get3A_112, %get3A_113, %get3A_114, %get3A_115] : memref<4x6x8x10000xf32, #tpu.memory_space<vmem>>, vector<1x1x8x10000xf32>
    %get3A_117 = vector.shape_cast %get3A_116 : vector<1x1x8x10000xf32> to vector<8x10000xf32>
    %reduce_max3A_118 = arith.constant dense<0xFF800000> : vector<10000xf32>
    %reduce_max3A_119 = vector.multi_reduction <maximumf>, %get3A_117, %reduce_max3A_118 [0] : vector<8x10000xf32> to vector<10000xf32>
    %broadcast_in_dim3A_120 = vector.shape_cast %reduce_max3A_119 : vector<10000xf32> to vector<1x10000xf32>
    %swap3A_121 = arith.constant 2 : index
    %swap3A_122 = arith.constant 10256 : index
    %swap3A_123 = vector.load %arg8[%swap3A_121, %swap3A_122] : memref<5x41472xf32, #tpu.memory_space<vmem>>, vector<1x10000xf32>
    tpu.vector_store %arg8[%swap3A_121, %swap3A_122], %broadcast_in_dim3A_120 {strides = array<i32>} : memref<5x41472xf32, #tpu.memory_space<vmem>>, vector<1x10000xf32>,
    %get3A_124 = arith.constant 1 : index
    %get3A_125 = arith.constant 3 : index
    %get3A_126 = arith.constant 0 : index
    %get3A_127 = arith.constant 0 : index
    %get3A_128 = vector.load %arg0[%get3A_124, %get3A_125, %get3A_126, %get3A_127] : memref<4x6x8x10000xf32, #tpu.memory_space<vmem>>, vector<1x1x8x10000xf32>
    %get3A_129 = vector.shape_cast %get3A_128 : vector<1x1x8x10000xf32> to vector<8x10000xf32>
    %reduce_max3A_130 = arith.constant dense<0xFF800000> : vector<10000xf32>
    %reduce_max3A_131 = vector.multi_reduction <maximumf>, %get3A_129, %reduce_max3A_130 [0] : vector<8x10000xf32> to vector<10000xf32>
    %broadcast_in_dim3A_132 = vector.shape_cast %reduce_max3A_131 : vector<10000xf32> to vector<1x10000xf32>
    %swap3A_133 = arith.constant 3 : index
    %swap3A_134 = arith.constant 10256 : index
    %swap3A_135 = vector.load %arg8[%swap3A_133, %swap3A_134] : memref<5x41472xf32, #tpu.memory_space<vmem>>, vector<1x10000xf32>
    tpu.vector_store %arg8[%swap3A_133, %swap3A_134], %broadcast_in_dim3A_132 {strides = array<i32>} : memref<5x41472xf32, #tpu.memory_space<vmem>>, vector<1x10000xf32>,
    %get3A_136 = arith.constant 1 : index
    %get3A_137 = arith.constant 4 : index
    %get3A_138 = arith.constant 0 : index
    %get3A_139 = arith.constant 0 : index
    %get3A_140 = vector.load %arg0[%get3A_136, %get3A_137, %get3A_138, %get3A_139] : memref<4x6x8x10000xf32, #tpu.memory_space<vmem>>, vector<1x1x8x10000xf32>
    %get3A_141 = vector.shape_cast %get3A_140 : vector<1x1x8x10000xf32> to vector<8x10000xf32>
    %get3A_142 = arith.constant 1 : index
    %get3A_143 = arith.constant 5 : index
    %get3A_144 = arith.constant 0 : index
    %get3A_145 = arith.constant 0 : index
    %get3A_146 = vector.load %arg0[%get3A_142, %get3A_143, %get3A_144, %get3A_145] : memref<4x6x8x10000xf32, #tpu.memory_space<vmem>>, vector<1x1x8x10000xf32>
    %get3A_147 = vector.shape_cast %get3A_146 : vector<1x1x8x10000xf32> to vector<8x10000xf32>
    %iota3A_148 = tpu.iota {dimensions = array<i32: 0>} : vector<8x10000xi32>
    %gt3A_149 = arith.constant 0.000000e+00 : f32
    %gt3A_150 = vector.broadcast %gt3A_149 : f32 to vector<8x10000xf32>
    %gt3A_151 = arith.cmpf ogt, %get3A_147, %gt3A_150 : vector<8x10000xf32>
    %jit3A_152 = arith.constant -1 : i32
    %broadcast_in_dim3A_153 = vector.broadcast %jit3A_152 : i32 to vector<8x10000xi32>
    %select_n3A_154 = arith.select %gt3A_151, %iota3A_148, %broadcast_in_dim3A_153 : vector<8x10000xi1>, vector<8x10000xi32>
    %reduce_max3A_155 = arith.constant dense<-2147483648> : vector<10000xi32>
    %reduce_max3A_156 = vector.multi_reduction <maxsi>, %select_n3A_154, %reduce_max3A_155 [0] : vector<8x10000xi32> to vector<10000xi32>
    %broadcast_in_dim3A_157 = vector.shape_cast %reduce_max3A_156 : vector<10000xi32> to vector<1x10000xi32>
    %eq3A_158 = vector.broadcast %broadcast_in_dim3A_157 : vector<1x10000xi32> to vector<8x10000xi32>
    %eq3A_159 = arith.cmpi eq, %select_n3A_154, %eq3A_158 : vector<8x10000xi32>
    %ge3A_160 = arith.constant 0 : i32
    %ge3A_161 = vector.broadcast %ge3A_160 : i32 to vector<8x10000xi32>
    %ge3A_162 = arith.cmpi sge, %select_n3A_154, %ge3A_161 : vector<8x10000xi32>
    %and3A_163 = arith.andi %eq3A_159, %ge3A_162 : vector<8x10000xi1>
    %broadcast_in_dim3A_164 = arith.constant 0.000000e+00 : f32
    %broadcast_in_dim3A_165 = vector.broadcast %broadcast_in_dim3A_164 : f32 to vector<8x10000xf32>
    %select_n3A_166 = arith.select %and3A_163, %get3A_141, %broadcast_in_dim3A_165 : vector<8x10000xi1>, vector<8x10000xf32>
    %reduce_sum3A_167 = arith.constant dense<0.000000e+00> : vector<10000xf32>
    %reduce_sum3A_168 = vector.multi_reduction <add>, %select_n3A_166, %reduce_sum3A_167 [0] : vector<8x10000xf32> to vector<10000xf32>
    %broadcast_in_dim3A_169 = vector.shape_cast %reduce_sum3A_168 : vector<10000xf32> to vector<1x10000xf32>
    %swap3A_170 = arith.constant 4 : index
    %swap3A_171 = arith.constant 10256 : index
    %swap3A_172 = vector.load %arg8[%swap3A_170, %swap3A_171] : memref<5x41472xf32, #tpu.memory_space<vmem>>, vector<1x10000xf32>
    tpu.vector_store %arg8[%swap3A_170, %swap3A_171], %broadcast_in_dim3A_169 {strides = array<i32>} : memref<5x41472xf32, #tpu.memory_space<vmem>>, vector<1x10000xf32>,
    %get3A_173 = arith.constant 2 : index
    %get3A_174 = arith.constant 0 : index
    %get3A_175 = arith.constant 0 : index
    %get3A_176 = arith.constant 0 : index
    %get3A_177 = vector.load %arg0[%get3A_173, %get3A_174, %get3A_175, %get3A_176] : memref<4x6x8x10000xf32, #tpu.memory_space<vmem>>, vector<1x1x8x10000xf32>
    %get3A_178 = vector.shape_cast %get3A_177 : vector<1x1x8x10000xf32> to vector<8x10000xf32>
    %reduce_max3A_179 = arith.constant dense<0xFF800000> : vector<10000xf32>
    %reduce_max3A_180 = vector.multi_reduction <maximumf>, %get3A_178, %reduce_max3A_179 [0] : vector<8x10000xf32> to vector<10000xf32>
    %broadcast_in_dim3A_181 = vector.shape_cast %reduce_max3A_180 : vector<10000xf32> to vector<1x10000xf32>
    %swap3A_182 = arith.constant 0 : index
    %swap3A_183 = arith.constant 20256 : index
    %swap3A_184 = vector.load %arg8[%swap3A_182, %swap3A_183] : memref<5x41472xf32, #tpu.memory_space<vmem>>, vector<1x10000xf32>
    tpu.vector_store %arg8[%swap3A_182, %swap3A_183], %broadcast_in_dim3A_181 {strides = array<i32>} : memref<5x41472xf32, #tpu.memory_space<vmem>>, vector<1x10000xf32>,
    %get3A_185 = arith.constant 2 : index
    %get3A_186 = arith.constant 1 : index
    %get3A_187 = arith.constant 0 : index
    %get3A_188 = arith.constant 0 : index
    %get3A_189 = vector.load %arg0[%get3A_185, %get3A_186, %get3A_187, %get3A_188] : memref<4x6x8x10000xf32, #tpu.memory_space<vmem>>, vector<1x1x8x10000xf32>
    %get3A_190 = vector.shape_cast %get3A_189 : vector<1x1x8x10000xf32> to vector<8x10000xf32>
    %reduce_max3A_191 = arith.constant dense<0xFF800000> : vector<10000xf32>
    %reduce_max3A_192 = vector.multi_reduction <maximumf>, %get3A_190, %reduce_max3A_191 [0] : vector<8x10000xf32> to vector<10000xf32>
    %broadcast_in_dim3A_193 = vector.shape_cast %reduce_max3A_192 : vector<10000xf32> to vector<1x10000xf32>
    %swap3A_194 = arith.constant 1 : index
    %swap3A_195 = arith.constant 20256 : index
    %swap3A_196 = vector.load %arg8[%swap3A_194, %swap3A_195] : memref<5x41472xf32, #tpu.memory_space<vmem>>, vector<1x10000xf32>
    tpu.vector_store %arg8[%swap3A_194, %swap3A_195], %broadcast_in_dim3A_193 {strides = array<i32>} : memref<5x41472xf32, #tpu.memory_space<vmem>>, vector<1x10000xf32>,
    %get3A_197 = arith.constant 2 : index
    %get3A_198 = arith.constant 2 : index
    %get3A_199 = arith.constant 0 : index
    %get3A_200 = arith.constant 0 : index
    %get3A_201 = vector.load %arg0[%get3A_197, %get3A_198, %get3A_199, %get3A_200] : memref<4x6x8x10000xf32, #tpu.memory_space<vmem>>, vector<1x1x8x10000xf32>
    %get3A_202 = vector.shape_cast %get3A_201 : vector<1x1x8x10000xf32> to vector<8x10000xf32>
    %reduce_max3A_203 = arith.constant dense<0xFF800000> : vector<10000xf32>
    %reduce_max3A_204 = vector.multi_reduction <maximumf>, %get3A_202, %reduce_max3A_203 [0] : vector<8x10000xf32> to vector<10000xf32>
    %broadcast_in_dim3A_205 = vector.shape_cast %reduce_max3A_204 : vector<10000xf32> to vector<1x10000xf32>
    %swap3A_206 = arith.constant 2 : index
    %swap3A_207 = arith.constant 20256 : index
    %swap3A_208 = vector.load %arg8[%swap3A_206, %swap3A_207] : memref<5x41472xf32, #tpu.memory_space<vmem>>, vector<1x10000xf32>
    tpu.vector_store %arg8[%swap3A_206, %swap3A_207], %broadcast_in_dim3A_205 {strides = array<i32>} : memref<5x41472xf32, #tpu.memory_space<vmem>>, vector<1x10000xf32>,
    %get3A_209 = arith.constant 2 : index
    %get3A_210 = arith.constant 3 : index
    %get3A_211 = arith.constant 0 : index
    %get3A_212 = arith.constant 0 : index
    %get3A_213 = vector.load %arg0[%get3A_209, %get3A_210, %get3A_211, %get3A_212] : memref<4x6x8x10000xf32, #tpu.memory_space<vmem>>, vector<1x1x8x10000xf32>
    %get3A_214 = vector.shape_cast %get3A_213 : vector<1x1x8x10000xf32> to vector<8x10000xf32>
    %reduce_max3A_215 = arith.constant dense<0xFF800000> : vector<10000xf32>
    %reduce_max3A_216 = vector.multi_reduction <maximumf>, %get3A_214, %reduce_max3A_215 [0] : vector<8x10000xf32> to vector<10000xf32>
    %broadcast_in_dim3A_217 = vector.shape_cast %reduce_max3A_216 : vector<10000xf32> to vector<1x10000xf32>
    %swap3A_218 = arith.constant 3 : index
    %swap3A_219 = arith.constant 20256 : index
    %swap3A_220 = vector.load %arg8[%swap3A_218, %swap3A_219] : memref<5x41472xf32, #tpu.memory_space<vmem>>, vector<1x10000xf32>
    tpu.vector_store %arg8[%swap3A_218, %swap3A_219], %broadcast_in_dim3A_217 {strides = array<i32>} : memref<5x41472xf32, #tpu.memory_space<vmem>>, vector<1x10000xf32>,
    %get3A_221 = arith.constant 2 : index
    %get3A_222 = arith.constant 4 : index
    %get3A_223 = arith.constant 0 : index
    %get3A_224 = arith.constant 0 : index
    %get3A_225 = vector.load %arg0[%get3A_221, %get3A_222, %get3A_223, %get3A_224] : memref<4x6x8x10000xf32, #tpu.memory_space<vmem>>, vector<1x1x8x10000xf32>
    %get3A_226 = vector.shape_cast %get3A_225 : vector<1x1x8x10000xf32> to vector<8x10000xf32>
    %get3A_227 = arith.constant 2 : index
    %get3A_228 = arith.constant 5 : index
    %get3A_229 = arith.constant 0 : index
    %get3A_230 = arith.constant 0 : index
    %get3A_231 = vector.load %arg0[%get3A_227, %get3A_228, %get3A_229, %get3A_230] : memref<4x6x8x10000xf32, #tpu.memory_space<vmem>>, vector<1x1x8x10000xf32>
    %get3A_232 = vector.shape_cast %get3A_231 : vector<1x1x8x10000xf32> to vector<8x10000xf32>
    %iota3A_233 = tpu.iota {dimensions = array<i32: 0>} : vector<8x10000xi32>
    %gt3A_234 = arith.constant 0.000000e+00 : f32
    %gt3A_235 = vector.broadcast %gt3A_234 : f32 to vector<8x10000xf32>
    %gt3A_236 = arith.cmpf ogt, %get3A_232, %gt3A_235 : vector<8x10000xf32>
    %jit3A_237 = arith.constant -1 : i32
    %broadcast_in_dim3A_238 = vector.broadcast %jit3A_237 : i32 to vector<8x10000xi32>
    %select_n3A_239 = arith.select %gt3A_236, %iota3A_233, %broadcast_in_dim3A_238 : vector<8x10000xi1>, vector<8x10000xi32>
    %reduce_max3A_240 = arith.constant dense<-2147483648> : vector<10000xi32>
    %reduce_max3A_241 = vector.multi_reduction <maxsi>, %select_n3A_239, %reduce_max3A_240 [0] : vector<8x10000xi32> to vector<10000xi32>
    %broadcast_in_dim3A_242 = vector.shape_cast %reduce_max3A_241 : vector<10000xi32> to vector<1x10000xi32>
    %eq3A_243 = vector.broadcast %broadcast_in_dim3A_242 : vector<1x10000xi32> to vector<8x10000xi32>
    %eq3A_244 = arith.cmpi eq, %select_n3A_239, %eq3A_243 : vector<8x10000xi32>
    %ge3A_245 = arith.constant 0 : i32
    %ge3A_246 = vector.broadcast %ge3A_245 : i32 to vector<8x10000xi32>
    %ge3A_247 = arith.cmpi sge, %select_n3A_239, %ge3A_246 : vector<8x10000xi32>
    %and3A_248 = arith.andi %eq3A_244, %ge3A_247 : vector<8x10000xi1>
    %broadcast_in_dim3A_249 = arith.constant 0.000000e+00 : f32
    %broadcast_in_dim3A_250 = vector.broadcast %broadcast_in_dim3A_249 : f32 to vector<8x10000xf32>
    %select_n3A_251 = arith.select %and3A_248, %get3A_226, %broadcast_in_dim3A_250 : vector<8x10000xi1>, vector<8x10000xf32>
    %reduce_sum3A_252 = arith.constant dense<0.000000e+00> : vector<10000xf32>
    %reduce_sum3A_253 = vector.multi_reduction <add>, %select_n3A_251, %reduce_sum3A_252 [0] : vector<8x10000xf32> to vector<10000xf32>
    %broadcast_in_dim3A_254 = vector.shape_cast %reduce_sum3A_253 : vector<10000xf32> to vector<1x10000xf32>
    %swap3A_255 = arith.constant 4 : index
    %swap3A_256 = arith.constant 20256 : index
    %swap3A_257 = vector.load %arg8[%swap3A_255, %swap3A_256] : memref<5x41472xf32, #tpu.memory_space<vmem>>, vector<1x10000xf32>
    tpu.vector_store %arg8[%swap3A_255, %swap3A_256], %broadcast_in_dim3A_254 {strides = array<i32>} : memref<5x41472xf32, #tpu.memory_space<vmem>>, vector<1x10000xf32>,
    %get3A_258 = arith.constant 3 : index
    %get3A_259 = arith.constant 0 : index
    %get3A_260 = arith.constant 0 : index
    %get3A_261 = arith.constant 0 : index
    %get3A_262 = vector.load %arg0[%get3A_258, %get3A_259, %get3A_260, %get3A_261] : memref<4x6x8x10000xf32, #tpu.memory_space<vmem>>, vector<1x1x8x10000xf32>
    %get3A_263 = vector.shape_cast %get3A_262 : vector<1x1x8x10000xf32> to vector<8x10000xf32>
    %reduce_max3A_264 = arith.constant dense<0xFF800000> : vector<10000xf32>
    %reduce_max3A_265 = vector.multi_reduction <maximumf>, %get3A_263, %reduce_max3A_264 [0] : vector<8x10000xf32> to vector<10000xf32>
    %broadcast_in_dim3A_266 = vector.shape_cast %reduce_max3A_265 : vector<10000xf32> to vector<1x10000xf32>
    %swap3A_267 = arith.constant 0 : index
    %swap3A_268 = arith.constant 30256 : index
    %swap3A_269 = vector.load %arg8[%swap3A_267, %swap3A_268] : memref<5x41472xf32, #tpu.memory_space<vmem>>, vector<1x10000xf32>
    tpu.vector_store %arg8[%swap3A_267, %swap3A_268], %broadcast_in_dim3A_266 {strides = array<i32>} : memref<5x41472xf32, #tpu.memory_space<vmem>>, vector<1x10000xf32>,
    %get3A_270 = arith.constant 3 : index
    %get3A_271 = arith.constant 1 : index
    %get3A_272 = arith.constant 0 : index
    %get3A_273 = arith.constant 0 : index
    %get3A_274 = vector.load %arg0[%get3A_270, %get3A_271, %get3A_272, %get3A_273] : memref<4x6x8x10000xf32, #tpu.memory_space<vmem>>, vector<1x1x8x10000xf32>
    %get3A_275 = vector.shape_cast %get3A_274 : vector<1x1x8x10000xf32> to vector<8x10000xf32>
    %reduce_max3A_276 = arith.constant dense<0xFF800000> : vector<10000xf32>
    %reduce_max3A_277 = vector.multi_reduction <maximumf>, %get3A_275, %reduce_max3A_276 [0] : vector<8x10000xf32> to vector<10000xf32>
    %broadcast_in_dim3A_278 = vector.shape_cast %reduce_max3A_277 : vector<10000xf32> to vector<1x10000xf32>
    %swap3A_279 = arith.constant 1 : index
    %swap3A_280 = arith.constant 30256 : index
    %swap3A_281 = vector.load %arg8[%swap3A_279, %swap3A_280] : memref<5x41472xf32, #tpu.memory_space<vmem>>, vector<1x10000xf32>
    tpu.vector_store %arg8[%swap3A_279, %swap3A_280], %broadcast_in_dim3A_278 {strides = array<i32>} : memref<5x41472xf32, #tpu.memory_space<vmem>>, vector<1x10000xf32>,
    %get3A_282 = arith.constant 3 : index
    %get3A_283 = arith.constant 2 : index
    %get3A_284 = arith.constant 0 : index
    %get3A_285 = arith.constant 0 : index
    %get3A_286 = vector.load %arg0[%get3A_282, %get3A_283, %get3A_284, %get3A_285] : memref<4x6x8x10000xf32, #tpu.memory_space<vmem>>, vector<1x1x8x10000xf32>
    %get3A_287 = vector.shape_cast %get3A_286 : vector<1x1x8x10000xf32> to vector<8x10000xf32>
    %reduce_max3A_288 = arith.constant dense<0xFF800000> : vector<10000xf32>
    %reduce_max3A_289 = vector.multi_reduction <maximumf>, %get3A_287, %reduce_max3A_288 [0] : vector<8x10000xf32> to vector<10000xf32>
    %broadcast_in_dim3A_290 = vector.shape_cast %reduce_max3A_289 : vector<10000xf32> to vector<1x10000xf32>
    %swap3A_291 = arith.constant 2 : index
    %swap3A_292 = arith.constant 30256 : index
    %swap3A_293 = vector.load %arg8[%swap3A_291, %swap3A_292] : memref<5x41472xf32, #tpu.memory_space<vmem>>, vector<1x10000xf32>
    tpu.vector_store %arg8[%swap3A_291, %swap3A_292], %broadcast_in_dim3A_290 {strides = array<i32>} : memref<5x41472xf32, #tpu.memory_space<vmem>>, vector<1x10000xf32>,
    %get3A_294 = arith.constant 3 : index
    %get3A_295 = arith.constant 3 : index
    %get3A_296 = arith.constant 0 : index
    %get3A_297 = arith.constant 0 : index
    %get3A_298 = vector.load %arg0[%get3A_294, %get3A_295, %get3A_296, %get3A_297] : memref<4x6x8x10000xf32, #tpu.memory_space<vmem>>, vector<1x1x8x10000xf32>
    %get3A_299 = vector.shape_cast %get3A_298 : vector<1x1x8x10000xf32> to vector<8x10000xf32>
    %reduce_max3A_300 = arith.constant dense<0xFF800000> : vector<10000xf32>
    %reduce_max3A_301 = vector.multi_reduction <maximumf>, %get3A_299, %reduce_max3A_300 [0] : vector<8x10000xf32> to vector<10000xf32>
    %broadcast_in_dim3A_302 = vector.shape_cast %reduce_max3A_301 : vector<10000xf32> to vector<1x10000xf32>
    %swap3A_303 = arith.constant 3 : index
    %swap3A_304 = arith.constant 30256 : index
    %swap3A_305 = vector.load %arg8[%swap3A_303, %swap3A_304] : memref<5x41472xf32, #tpu.memory_space<vmem>>, vector<1x10000xf32>
    tpu.vector_store %arg8[%swap3A_303, %swap3A_304], %broadcast_in_dim3A_302 {strides = array<i32>} : memref<5x41472xf32, #tpu.memory_space<vmem>>, vector<1x10000xf32>,
    %get3A_306 = arith.constant 3 : index
    %get3A_307 = arith.constant 4 : index
    %get3A_308 = arith.constant 0 : index
    %get3A_309 = arith.constant 0 : index
    %get3A_310 = vector.load %arg0[%get3A_306, %get3A_307, %get3A_308, %get3A_309] : memref<4x6x8x10000xf32, #tpu.memory_space<vmem>>, vector<1x1x8x10000xf32>
    %get3A_311 = vector.shape_cast %get3A_310 : vector<1x1x8x10000xf32> to vector<8x10000xf32>
    %get3A_312 = arith.constant 3 : index
    %get3A_313 = arith.constant 5 : index
    %get3A_314 = arith.constant 0 : index
    %get3A_315 = arith.constant 0 : index
    %get3A_316 = vector.load %arg0[%get3A_312, %get3A_313, %get3A_314, %get3A_315] : memref<4x6x8x10000xf32, #tpu.memory_space<vmem>>, vector<1x1x8x10000xf32>
    %get3A_317 = vector.shape_cast %get3A_316 : vector<1x1x8x10000xf32> to vector<8x10000xf32>
    %iota3A_318 = tpu.iota {dimensions = array<i32: 0>} : vector<8x10000xi32>
    %gt3A_319 = arith.constant 0.000000e+00 : f32
    %gt3A_320 = vector.broadcast %gt3A_319 : f32 to vector<8x10000xf32>
    %gt3A_321 = arith.cmpf ogt, %get3A_317, %gt3A_320 : vector<8x10000xf32>
    %jit3A_322 = arith.constant -1 : i32
    %broadcast_in_dim3A_323 = vector.broadcast %jit3A_322 : i32 to vector<8x10000xi32>
    %select_n3A_324 = arith.select %gt3A_321, %iota3A_318, %broadcast_in_dim3A_323 : vector<8x10000xi1>, vector<8x10000xi32>
    %reduce_max3A_325 = arith.constant dense<-2147483648> : vector<10000xi32>
    %reduce_max3A_326 = vector.multi_reduction <maxsi>, %select_n3A_324, %reduce_max3A_325 [0] : vector<8x10000xi32> to vector<10000xi32>
    %broadcast_in_dim3A_327 = vector.shape_cast %reduce_max3A_326 : vector<10000xi32> to vector<1x10000xi32>
    %eq3A_328 = vector.broadcast %broadcast_in_dim3A_327 : vector<1x10000xi32> to vector<8x10000xi32>
    %eq3A_329 = arith.cmpi eq, %select_n3A_324, %eq3A_328 : vector<8x10000xi32>
    %ge3A_330 = arith.constant 0 : i32
    %ge3A_331 = vector.broadcast %ge3A_330 : i32 to vector<8x10000xi32>
    %ge3A_332 = arith.cmpi sge, %select_n3A_324, %ge3A_331 : vector<8x10000xi32>
    %and3A_333 = arith.andi %eq3A_329, %ge3A_332 : vector<8x10000xi1>
    %broadcast_in_dim3A_334 = arith.constant 0.000000e+00 : f32
    %broadcast_in_dim3A_335 = vector.broadcast %broadcast_in_dim3A_334 : f32 to vector<8x10000xf32>
    %select_n3A_336 = arith.select %and3A_333, %get3A_311, %broadcast_in_dim3A_335 : vector<8x10000xi1>, vector<8x10000xf32>
    %reduce_sum3A_337 = arith.constant dense<0.000000e+00> : vector<10000xf32>
    %reduce_sum3A_338 = vector.multi_reduction <add>, %select_n3A_336, %reduce_sum3A_337 [0] : vector<8x10000xf32> to vector<10000xf32>
    %broadcast_in_dim3A_339 = vector.shape_cast %reduce_sum3A_338 : vector<10000xf32> to vector<1x10000xf32>
    %swap3A_340 = arith.constant 4 : index
    %swap3A_341 = arith.constant 30256 : index
    %swap3A_342 = vector.load %arg8[%swap3A_340, %swap3A_341] : memref<5x41472xf32, #tpu.memory_space<vmem>>, vector<1x10000xf32>
    tpu.vector_store %arg8[%swap3A_340, %swap3A_341], %broadcast_in_dim3A_339 {strides = array<i32>} : memref<5x41472xf32, #tpu.memory_space<vmem>>, vector<1x10000xf32>,
    %scan3A = arith.constant 0 : i32
    %scan3A_343 = arith.constant 5 : i32
    %scan3A_344 = arith.addi %scan3A, %scan3A_343 : i32
    %scan3A_345 = arith.constant 1 : i32
    scf.for %scan3A_411 = %scan3A to %scan3A_344 step %scan3A_345  : i32 {
      %mul3A = arith.constant 8192 : i32
      %mul3A_412 = arith.muli %scan3A_411, %mul3A : i32
      %iota3A_413 = tpu.iota {dimensions = array<i32: 1>} : vector<1x8192xi32>
      %add3A = vector.broadcast %mul3A_412 : i32 to vector<1x8192xi32>
      %add3A_414 = arith.addi %add3A, %iota3A_413 : vector<1x8192xi32>
      %rem3A = arith.constant 200 : i32
      %rem3A_415 = vector.broadcast %rem3A : i32 to vector<1x8192xi32>
      %rem3A_416 = arith.remsi %add3A_414, %rem3A_415 : vector<1x8192xi32>
      %ne3A = arith.constant 0 : i32
      %ne3A_417 = vector.broadcast %ne3A : i32 to vector<1x8192xi32>
      %ne3A_418 = arith.cmpi ne, %rem3A_416, %ne3A_417 : vector<1x8192xi32>
      %convert_element_type3A = arith.extui %ne3A_418 : vector<1x8192xi1> to vector<1x8192xi32>
      %convert_element_type3A_419 = arith.sitofp %convert_element_type3A : vector<1x8192xi32> to vector<1x8192xf32>
      %ne3A_420 = arith.constant 199 : i32
      %ne3A_421 = vector.broadcast %ne3A_420 : i32 to vector<1x8192xi32>
      %ne3A_422 = arith.cmpi ne, %rem3A_416, %ne3A_421 : vector<1x8192xi32>
      %convert_element_type3A_423 = arith.extui %ne3A_422 : vector<1x8192xi1> to vector<1x8192xi32>
      %convert_element_type3A_424 = arith.sitofp %convert_element_type3A_423 : vector<1x8192xi32> to vector<1x8192xf32>
      %mul3A_425 = arith.constant 8192 : i32
      %mul3A_426 = arith.muli %scan3A_411, %mul3A_425 : i32
      %add3A_427 = arith.constant 256 : i32
      %add3A_428 = arith.addi %add3A_427, %mul3A_426 : i32
      %multiple_of3A = tpu.assume_multiple %add3A_428, 128 : i32
      %mul3A_429 = arith.constant 8192 : i32
      %mul3A_430 = arith.muli %scan3A_411, %mul3A_429 : i32
      %multiple_of3A_431 = tpu.assume_multiple %mul3A_430, 128 : i32
      %get3A_432 = arith.constant 0 : index
      %get3A_433 = arith.index_cast %multiple_of3A_431 : i32 to index
      %get3A_434 = vector.load %arg8[%get3A_432, %get3A_433] : memref<5x41472xf32, #tpu.memory_space<vmem>>, vector<5x8704xf32>
      %slice3A = vector.extract_strided_slice %get3A_434 {offsets = [0, 55], sizes = [5, 8192], strides = [1, 1]} : vector<5x8704xf32> to vector<5x8192xf32>
      %mul3A_435 = vector.broadcast %convert_element_type3A_419 : vector<1x8192xf32> to vector<5x8192xf32>
      %mul3A_436 = arith.mulf %slice3A, %mul3A_435 : vector<5x8192xf32>
      %get3A_437 = arith.constant 0 : index
      %get3A_438 = arith.constant 0 : index
      %get3A_439 = arith.constant 0 : index
      %get3A_440 = arith.constant 0 : index
      %get3A_441 = vector.load %arg1[%get3A_437, %get3A_438, %get3A_439, %get3A_440] : memref<3x3x32x5xf32, #tpu.memory_space<vmem>>, vector<1x1x32x5xf32>
      %get3A_442 = vector.shape_cast %get3A_441 : vector<1x1x32x5xf32> to vector<32x5xf32>
      %dot_general3A = arith.constant dense<0.000000e+00> : vector<32x8192xf32>
      %dot_general3A_443 = tpu.matmul %get3A_442, %mul3A_436, %dot_general3A {dimension_numbers = #tpu.dot_dimension_numbers<[1], [0], [0], [1], [0, 0, 1, 1], [], []>, transpose_lhs_hint = false} : vector<32x5xf32>, vector<5x8192xf32>, vector<32x8192xf32> -> vector<32x8192xf32>
      %slice3A_444 = vector.extract_strided_slice %get3A_434 {offsets = [0, 56], sizes = [5, 8192], strides = [1, 1]} : vector<5x8704xf32> to vector<5x8192xf32>
      %get3A_445 = arith.constant 0 : index
      %get3A_446 = arith.constant 1 : index
      %get3A_447 = arith.constant 0 : index
      %get3A_448 = arith.constant 0 : index
      %get3A_449 = vector.load %arg1[%get3A_445, %get3A_446, %get3A_447, %get3A_448] : memref<3x3x32x5xf32, #tpu.memory_space<vmem>>, vector<1x1x32x5xf32>
      %get3A_450 = vector.shape_cast %get3A_449 : vector<1x1x32x5xf32> to vector<32x5xf32>
      %dot_general3A_451 = arith.constant dense<0.000000e+00> : vector<32x8192xf32>
      %dot_general3A_452 = tpu.matmul %get3A_450, %slice3A_444, %dot_general3A_451 {dimension_numbers = #tpu.dot_dimension_numbers<[1], [0], [0], [1], [0, 0, 1, 1], [], []>, transpose_lhs_hint = false} : vector<32x5xf32>, vector<5x8192xf32>, vector<32x8192xf32> -> vector<32x8192xf32>
      %add3A_453 = arith.addf %dot_general3A_443, %dot_general3A_452 : vector<32x8192xf32>
      %slice3A_454 = vector.extract_strided_slice %get3A_434 {offsets = [0, 57], sizes = [5, 8192], strides = [1, 1]} : vector<5x8704xf32> to vector<5x8192xf32>
      %mul3A_455 = vector.broadcast %convert_element_type3A_424 : vector<1x8192xf32> to vector<5x8192xf32>
      %mul3A_456 = arith.mulf %slice3A_454, %mul3A_455 : vector<5x8192xf32>
      %get3A_457 = arith.constant 0 : index
      %get3A_458 = arith.constant 2 : index
      %get3A_459 = arith.constant 0 : index
      %get3A_460 = arith.constant 0 : index
      %get3A_461 = vector.load %arg1[%get3A_457, %get3A_458, %get3A_459, %get3A_460] : memref<3x3x32x5xf32, #tpu.memory_space<vmem>>, vector<1x1x32x5xf32>
      %get3A_462 = vector.shape_cast %get3A_461 : vector<1x1x32x5xf32> to vector<32x5xf32>
      %dot_general3A_463 = arith.constant dense<0.000000e+00> : vector<32x8192xf32>
      %dot_general3A_464 = tpu.matmul %get3A_462, %mul3A_456, %dot_general3A_463 {dimension_numbers = #tpu.dot_dimension_numbers<[1], [0], [0], [1], [0, 0, 1, 1], [], []>, transpose_lhs_hint = false} : vector<32x5xf32>, vector<5x8192xf32>, vector<32x8192xf32> -> vector<32x8192xf32>
      %add3A_465 = arith.addf %add3A_453, %dot_general3A_464 : vector<32x8192xf32>
      %slice3A_466 = vector.extract_strided_slice %get3A_434 {offsets = [0, 255], sizes = [5, 8192], strides = [1, 1]} : vector<5x8704xf32> to vector<5x8192xf32>
      %mul3A_467 = vector.broadcast %convert_element_type3A_419 : vector<1x8192xf32> to vector<5x8192xf32>
      %mul3A_468 = arith.mulf %slice3A_466, %mul3A_467 : vector<5x8192xf32>
      %get3A_469 = arith.constant 1 : index
      %get3A_470 = arith.constant 0 : index
      %get3A_471 = arith.constant 0 : index
      %get3A_472 = arith.constant 0 : index
      %get3A_473 = vector.load %arg1[%get3A_469, %get3A_470, %get3A_471, %get3A_472] : memref<3x3x32x5xf32, #tpu.memory_space<vmem>>, vector<1x1x32x5xf32>
      %get3A_474 = vector.shape_cast %get3A_473 : vector<1x1x32x5xf32> to vector<32x5xf32>
      %dot_general3A_475 = arith.constant dense<0.000000e+00> : vector<32x8192xf32>
      %dot_general3A_476 = tpu.matmul %get3A_474, %mul3A_468, %dot_general3A_475 {dimension_numbers = #tpu.dot_dimension_numbers<[1], [0], [0], [1], [0, 0, 1, 1], [], []>, transpose_lhs_hint = false} : vector<32x5xf32>, vector<5x8192xf32>, vector<32x8192xf32> -> vector<32x8192xf32>
      %add3A_477 = arith.addf %add3A_465, %dot_general3A_476 : vector<32x8192xf32>
      %slice3A_478 = vector.extract_strided_slice %get3A_434 {offsets = [0, 256], sizes = [5, 8192], strides = [1, 1]} : vector<5x8704xf32> to vector<5x8192xf32>
      %get3A_479 = arith.constant 1 : index
      %get3A_480 = arith.constant 1 : index
      %get3A_481 = arith.constant 0 : index
      %get3A_482 = arith.constant 0 : index
      %get3A_483 = vector.load %arg1[%get3A_479, %get3A_480, %get3A_481, %get3A_482] : memref<3x3x32x5xf32, #tpu.memory_space<vmem>>, vector<1x1x32x5xf32>
      %get3A_484 = vector.shape_cast %get3A_483 : vector<1x1x32x5xf32> to vector<32x5xf32>
      %dot_general3A_485 = arith.constant dense<0.000000e+00> : vector<32x8192xf32>
      %dot_general3A_486 = tpu.matmul %get3A_484, %slice3A_478, %dot_general3A_485 {dimension_numbers = #tpu.dot_dimension_numbers<[1], [0], [0], [1], [0, 0, 1, 1], [], []>, transpose_lhs_hint = false} : vector<32x5xf32>, vector<5x8192xf32>, vector<32x8192xf32> -> vector<32x8192xf32>
      %add3A_487 = arith.addf %add3A_477, %dot_general3A_486 : vector<32x8192xf32>
      %slice3A_488 = vector.extract_strided_slice %get3A_434 {offsets = [0, 257], sizes = [5, 8192], strides = [1, 1]} : vector<5x8704xf32> to vector<5x8192xf32>
      %mul3A_489 = vector.broadcast %convert_element_type3A_424 : vector<1x8192xf32> to vector<5x8192xf32>
      %mul3A_490 = arith.mulf %slice3A_488, %mul3A_489 : vector<5x8192xf32>
      %get3A_491 = arith.constant 1 : index
      %get3A_492 = arith.constant 2 : index
      %get3A_493 = arith.constant 0 : index
      %get3A_494 = arith.constant 0 : index
      %get3A_495 = vector.load %arg1[%get3A_491, %get3A_492, %get3A_493, %get3A_494] : memref<3x3x32x5xf32, #tpu.memory_space<vmem>>, vector<1x1x32x5xf32>
      %get3A_496 = vector.shape_cast %get3A_495 : vector<1x1x32x5xf32> to vector<32x5xf32>
      %dot_general3A_497 = arith.constant dense<0.000000e+00> : vector<32x8192xf32>
      %dot_general3A_498 = tpu.matmul %get3A_496, %mul3A_490, %dot_general3A_497 {dimension_numbers = #tpu.dot_dimension_numbers<[1], [0], [0], [1], [0, 0, 1, 1], [], []>, transpose_lhs_hint = false} : vector<32x5xf32>, vector<5x8192xf32>, vector<32x8192xf32> -> vector<32x8192xf32>
      %add3A_499 = arith.addf %add3A_487, %dot_general3A_498 : vector<32x8192xf32>
      %slice3A_500 = vector.extract_strided_slice %get3A_434 {offsets = [0, 455], sizes = [5, 8192], strides = [1, 1]} : vector<5x8704xf32> to vector<5x8192xf32>
      %mul3A_501 = vector.broadcast %convert_element_type3A_419 : vector<1x8192xf32> to vector<5x8192xf32>
      %mul3A_502 = arith.mulf %slice3A_500, %mul3A_501 : vector<5x8192xf32>
      %get3A_503 = arith.constant 2 : index
      %get3A_504 = arith.constant 0 : index
      %get3A_505 = arith.constant 0 : index
      %get3A_506 = arith.constant 0 : index
      %get3A_507 = vector.load %arg1[%get3A_503, %get3A_504, %get3A_505, %get3A_506] : memref<3x3x32x5xf32, #tpu.memory_space<vmem>>, vector<1x1x32x5xf32>
      %get3A_508 = vector.shape_cast %get3A_507 : vector<1x1x32x5xf32> to vector<32x5xf32>
      %dot_general3A_509 = arith.constant dense<0.000000e+00> : vector<32x8192xf32>
      %dot_general3A_510 = tpu.matmul %get3A_508, %mul3A_502, %dot_general3A_509 {dimension_numbers = #tpu.dot_dimension_numbers<[1], [0], [0], [1], [0, 0, 1, 1], [], []>, transpose_lhs_hint = false} : vector<32x5xf32>, vector<5x8192xf32>, vector<32x8192xf32> -> vector<32x8192xf32>
      %add3A_511 = arith.addf %add3A_499, %dot_general3A_510 : vector<32x8192xf32>
      %slice3A_512 = vector.extract_strided_slice %get3A_434 {offsets = [0, 456], sizes = [5, 8192], strides = [1, 1]} : vector<5x8704xf32> to vector<5x8192xf32>
      %get3A_513 = arith.constant 2 : index
      %get3A_514 = arith.constant 1 : index
      %get3A_515 = arith.constant 0 : index
      %get3A_516 = arith.constant 0 : index
      %get3A_517 = vector.load %arg1[%get3A_513, %get3A_514, %get3A_515, %get3A_516] : memref<3x3x32x5xf32, #tpu.memory_space<vmem>>, vector<1x1x32x5xf32>
      %get3A_518 = vector.shape_cast %get3A_517 : vector<1x1x32x5xf32> to vector<32x5xf32>
      %dot_general3A_519 = arith.constant dense<0.000000e+00> : vector<32x8192xf32>
      %dot_general3A_520 = tpu.matmul %get3A_518, %slice3A_512, %dot_general3A_519 {dimension_numbers = #tpu.dot_dimension_numbers<[1], [0], [0], [1], [0, 0, 1, 1], [], []>, transpose_lhs_hint = false} : vector<32x5xf32>, vector<5x8192xf32>, vector<32x8192xf32> -> vector<32x8192xf32>
      %add3A_521 = arith.addf %add3A_511, %dot_general3A_520 : vector<32x8192xf32>
      %slice3A_522 = vector.extract_strided_slice %get3A_434 {offsets = [0, 457], sizes = [5, 8192], strides = [1, 1]} : vector<5x8704xf32> to vector<5x8192xf32>
      %mul3A_523 = vector.broadcast %convert_element_type3A_424 : vector<1x8192xf32> to vector<5x8192xf32>
      %mul3A_524 = arith.mulf %slice3A_522, %mul3A_523 : vector<5x8192xf32>
      %get3A_525 = arith.constant 2 : index
      %get3A_526 = arith.constant 2 : index
      %get3A_527 = arith.constant 0 : index
      %get3A_528 = arith.constant 0 : index
      %get3A_529 = vector.load %arg1[%get3A_525, %get3A_526, %get3A_527, %get3A_528] : memref<3x3x32x5xf32, #tpu.memory_space<vmem>>, vector<1x1x32x5xf32>
      %get3A_530 = vector.shape_cast %get3A_529 : vector<1x1x32x5xf32> to vector<32x5xf32>
      %dot_general3A_531 = arith.constant dense<0.000000e+00> : vector<32x8192xf32>
      %dot_general3A_532 = tpu.matmul %get3A_530, %mul3A_524, %dot_general3A_531 {dimension_numbers = #tpu.dot_dimension_numbers<[1], [0], [0], [1], [0, 0, 1, 1], [], []>, transpose_lhs_hint = false} : vector<32x5xf32>, vector<5x8192xf32>, vector<32x8192xf32> -> vector<32x8192xf32>
      %add3A_533 = arith.addf %add3A_521, %dot_general3A_532 : vector<32x8192xf32>
      %swap3A_534 = arith.constant 0 : index
      %swap3A_535 = arith.index_cast %multiple_of3A : i32 to index
      %swap3A_536 = vector.load %arg9[%swap3A_534, %swap3A_535] : memref<32x41472xf32, #tpu.memory_space<vmem>>, vector<32x8192xf32>
      tpu.vector_store %arg9[%swap3A_534, %swap3A_535], %add3A_533 {strides = array<i32>} : memref<32x41472xf32, #tpu.memory_space<vmem>>, vector<32x8192xf32>,
    }
    %scan3A_346 = arith.constant 5 : i32
    %broadcast_in_dim3A_347 = arith.constant 0.000000e+00 : f32
    %broadcast_in_dim3A_348 = vector.broadcast %broadcast_in_dim3A_347 : f32 to vector<32x1xf32>
    %scan3A_349 = arith.constant 0 : i32
    %scan3A_350 = arith.constant 5 : i32
    %scan3A_351 = arith.addi %scan3A_349, %scan3A_350 : i32
    %scan3A_352 = arith.constant 1 : i32
    %scan3A_353 = scf.for %scan3A_411 = %scan3A_349 to %scan3A_351 step %scan3A_352 iter_args(%scan3A_412 = %broadcast_in_dim3A_348) -> (vector<32x1xf32>)  : i32 {
      %mul3A = arith.constant 8192 : i32
      %mul3A_413 = arith.muli %scan3A_411, %mul3A : i32
      %iota3A_414 = tpu.iota {dimensions = array<i32: 1>} : vector<1x8192xi32>
      %add3A = vector.broadcast %mul3A_413 : i32 to vector<1x8192xi32>
      %add3A_415 = arith.addi %add3A, %iota3A_414 : vector<1x8192xi32>
      %lt3A = arith.constant 40000 : i32
      %lt3A_416 = vector.broadcast %lt3A : i32 to vector<1x8192xi32>
      %lt3A_417 = arith.cmpi slt, %add3A_415, %lt3A_416 : vector<1x8192xi32>
      %convert_element_type3A = arith.extui %lt3A_417 : vector<1x8192xi1> to vector<1x8192xi32>
      %convert_element_type3A_418 = arith.sitofp %convert_element_type3A : vector<1x8192xi32> to vector<1x8192xf32>
      %mul3A_419 = arith.constant 8192 : i32
      %mul3A_420 = arith.muli %scan3A_411, %mul3A_419 : i32
      %add3A_421 = arith.constant 256 : i32
      %add3A_422 = arith.addi %add3A_421, %mul3A_420 : i32
      %multiple_of3A = tpu.assume_multiple %add3A_422, 128 : i32
      %get3A_423 = arith.constant 0 : index
      %get3A_424 = arith.index_cast %multiple_of3A : i32 to index
      %get3A_425 = vector.load %arg9[%get3A_423, %get3A_424] : memref<32x41472xf32, #tpu.memory_space<vmem>>, vector<32x8192xf32>
      %mul3A_426 = vector.broadcast %convert_element_type3A_418 : vector<1x8192xf32> to vector<32x8192xf32>
      %mul3A_427 = arith.mulf %get3A_425, %mul3A_426 : vector<32x8192xf32>
      %reduce_sum3A_428 = arith.constant dense<0.000000e+00> : vector<32xf32>
      %reduce_sum3A_429 = vector.multi_reduction <add>, %mul3A_427, %reduce_sum3A_428 [1] : vector<32x8192xf32> to vector<32xf32>
      %broadcast_in_dim3A_430 = vector.shape_cast %reduce_sum3A_429 : vector<32xf32> to vector<32x1xf32>
      %add3A_431 = arith.addf %scan3A_412, %broadcast_in_dim3A_430 : vector<32x1xf32>
      scf.yield %add3A_431 : vector<32x1xf32>
    }
    %scan3A_354 = arith.constant 5 : i32
    %div3A = arith.constant 4.000000e+04 : f32
    %div3A_355 = vector.broadcast %div3A : f32 to vector<32x1xf32>
    %div3A_356 = arith.divf %scan3A_353, %div3A_355 : vector<32x1xf32>
    %broadcast_in_dim3A_357 = arith.constant 0.000000e+00 : f32
    %broadcast_in_dim3A_358 = vector.broadcast %broadcast_in_dim3A_357 : f32 to vector<32x1xf32>
    %scan3A_359 = arith.constant 0 : i32
    %scan3A_360 = arith.constant 5 : i32
    %scan3A_361 = arith.addi %scan3A_359, %scan3A_360 : i32
    %scan3A_362 = arith.constant 1 : i32
    %scan3A_363 = scf.for %scan3A_411 = %scan3A_359 to %scan3A_361 step %scan3A_362 iter_args(%scan3A_412 = %broadcast_in_dim3A_358) -> (vector<32x1xf32>)  : i32 {
      %mul3A = arith.constant 8192 : i32
      %mul3A_413 = arith.muli %scan3A_411, %mul3A : i32
      %iota3A_414 = tpu.iota {dimensions = array<i32: 1>} : vector<1x8192xi32>
      %add3A = vector.broadcast %mul3A_413 : i32 to vector<1x8192xi32>
      %add3A_415 = arith.addi %add3A, %iota3A_414 : vector<1x8192xi32>
      %lt3A = arith.constant 40000 : i32
      %lt3A_416 = vector.broadcast %lt3A : i32 to vector<1x8192xi32>
      %lt3A_417 = arith.cmpi slt, %add3A_415, %lt3A_416 : vector<1x8192xi32>
      %convert_element_type3A = arith.extui %lt3A_417 : vector<1x8192xi1> to vector<1x8192xi32>
      %convert_element_type3A_418 = arith.sitofp %convert_element_type3A : vector<1x8192xi32> to vector<1x8192xf32>
      %mul3A_419 = arith.constant 8192 : i32
      %mul3A_420 = arith.muli %scan3A_411, %mul3A_419 : i32
      %add3A_421 = arith.constant 256 : i32
      %add3A_422 = arith.addi %add3A_421, %mul3A_420 : i32
      %multiple_of3A = tpu.assume_multiple %add3A_422, 128 : i32
      %get3A_423 = arith.constant 0 : index
      %get3A_424 = arith.index_cast %multiple_of3A : i32 to index
      %get3A_425 = vector.load %arg9[%get3A_423, %get3A_424] : memref<32x41472xf32, #tpu.memory_space<vmem>>, vector<32x8192xf32>
      %sub3A = vector.broadcast %div3A_356 : vector<32x1xf32> to vector<32x8192xf32>
      %sub3A_426 = arith.subf %get3A_425, %sub3A : vector<32x8192xf32>
      %mul3A_427 = vector.broadcast %convert_element_type3A_418 : vector<1x8192xf32> to vector<32x8192xf32>
      %mul3A_428 = arith.mulf %sub3A_426, %mul3A_427 : vector<32x8192xf32>
      %mul3A_429 = arith.mulf %mul3A_428, %mul3A_428 : vector<32x8192xf32>
      %reduce_sum3A_430 = arith.constant dense<0.000000e+00> : vector<32xf32>
      %reduce_sum3A_431 = vector.multi_reduction <add>, %mul3A_429, %reduce_sum3A_430 [1] : vector<32x8192xf32> to vector<32xf32>
      %broadcast_in_dim3A_432 = vector.shape_cast %reduce_sum3A_431 : vector<32xf32> to vector<32x1xf32>
      %add3A_433 = arith.addf %scan3A_412, %broadcast_in_dim3A_432 : vector<32x1xf32>
      scf.yield %add3A_433 : vector<32x1xf32>
    }
    %scan3A_364 = arith.constant 5 : i32
    %div3A_365 = arith.constant 4.000000e+04 : f32
    %div3A_366 = vector.broadcast %div3A_365 : f32 to vector<32x1xf32>
    %div3A_367 = arith.divf %scan3A_363, %div3A_366 : vector<32x1xf32>
    %scan3A_368 = arith.constant 0 : i32
    %scan3A_369 = arith.constant 5 : i32
    %scan3A_370 = arith.addi %scan3A_368, %scan3A_369 : i32
    %scan3A_371 = arith.constant 1 : i32
    scf.for %scan3A_411 = %scan3A_368 to %scan3A_370 step %scan3A_371  : i32 {
      %mul3A = arith.constant 8192 : i32
      %mul3A_412 = arith.muli %scan3A_411, %mul3A : i32
      %add3A = arith.constant 256 : i32
      %add3A_413 = arith.addi %add3A, %mul3A_412 : i32
      %multiple_of3A = tpu.assume_multiple %add3A_413, 128 : i32
      %get3A_414 = arith.constant 0 : index
      %get3A_415 = arith.index_cast %multiple_of3A : i32 to index
      %get3A_416 = vector.load %arg9[%get3A_414, %get3A_415] : memref<32x41472xf32, #tpu.memory_space<vmem>>, vector<32x8192xf32>
      %get3A_417 = arith.constant 0 : index
      %get3A_418 = arith.constant 0 : index
      %get3A_419 = vector.load %arg2[%get3A_417, %get3A_418] : memref<32x1xf32, #tpu.memory_space<vmem>>, vector<32x1xf32>
      %sub3A = vector.broadcast %div3A_356 : vector<32x1xf32> to vector<32x8192xf32>
      %sub3A_420 = arith.subf %get3A_416, %sub3A : vector<32x8192xf32>
      %mul3A_421 = vector.broadcast %get3A_419 : vector<32x1xf32> to vector<32x8192xf32>
      %mul3A_422 = arith.mulf %mul3A_421, %sub3A_420 : vector<32x8192xf32>
      %add3A_423 = arith.constant 9.99999974E-6 : f32
      %add3A_424 = vector.broadcast %add3A_423 : f32 to vector<32x1xf32>
      %add3A_425 = arith.addf %div3A_367, %add3A_424 : vector<32x1xf32>
      %sqrt3A = math.sqrt %add3A_425 : vector<32x1xf32>
      %div3A_426 = vector.broadcast %sqrt3A : vector<32x1xf32> to vector<32x8192xf32>
      %div3A_427 = arith.divf %mul3A_422, %div3A_426 : vector<32x8192xf32>
      %get3A_428 = arith.constant 0 : index
      %get3A_429 = arith.constant 0 : index
      %get3A_430 = vector.load %arg3[%get3A_428, %get3A_429] : memref<32x1xf32, #tpu.memory_space<vmem>>, vector<32x1xf32>
      %add3A_431 = vector.broadcast %get3A_430 : vector<32x1xf32> to vector<32x8192xf32>
      %add3A_432 = arith.addf %div3A_427, %add3A_431 : vector<32x8192xf32>
      %max3A = arith.constant 0.000000e+00 : f32
      %max3A_433 = vector.broadcast %max3A : f32 to vector<32x8192xf32>
      %max3A_434 = arith.maximumf %add3A_432, %max3A_433 : vector<32x8192xf32>
      %swap3A_435 = arith.constant 0 : index
      %swap3A_436 = arith.index_cast %multiple_of3A : i32 to index
      %swap3A_437 = vector.load %arg9[%swap3A_435, %swap3A_436] : memref<32x41472xf32, #tpu.memory_space<vmem>>, vector<32x8192xf32>
      tpu.vector_store %arg9[%swap3A_435, %swap3A_436], %max3A_434 {strides = array<i32>} : memref<32x41472xf32, #tpu.memory_space<vmem>>, vector<32x8192xf32>,
    }
    %scan3A_372 = arith.constant 5 : i32
    %broadcast_in_dim3A_373 = arith.constant 0.000000e+00 : f32
    %broadcast_in_dim3A_374 = vector.broadcast %broadcast_in_dim3A_373 : f32 to vector<32x1216xf32>
    %swap3A_375 = arith.constant 0 : index
    %swap3A_376 = arith.constant 40256 : index
    %swap3A_377 = vector.load %arg9[%swap3A_375, %swap3A_376] : memref<32x41472xf32, #tpu.memory_space<vmem>>, vector<32x1216xf32>
    tpu.vector_store %arg9[%swap3A_375, %swap3A_376], %broadcast_in_dim3A_374 {strides = array<i32>} : memref<32x41472xf32, #tpu.memory_space<vmem>>, vector<32x1216xf32>,
    %scan3A_378 = arith.constant 0 : i32
    %scan3A_379 = arith.constant 5 : i32
    %scan3A_380 = arith.addi %scan3A_378, %scan3A_379 : i32
    %scan3A_381 = arith.constant 1 : i32
    scf.for %scan3A_411 = %scan3A_378 to %scan3A_380 step %scan3A_381  : i32 {
      %mul3A = arith.constant 8192 : i32
      %mul3A_412 = arith.muli %scan3A_411, %mul3A : i32
      %iota3A_413 = tpu.iota {dimensions = array<i32: 1>} : vector<1x8192xi32>
      %add3A = vector.broadcast %mul3A_412 : i32 to vector<1x8192xi32>
      %add3A_414 = arith.addi %add3A, %iota3A_413 : vector<1x8192xi32>
      %rem3A = arith.constant 200 : i32
      %rem3A_415 = vector.broadcast %rem3A : i32 to vector<1x8192xi32>
      %rem3A_416 = arith.remsi %add3A_414, %rem3A_415 : vector<1x8192xi32>
      %ne3A = arith.constant 0 : i32
      %ne3A_417 = vector.broadcast %ne3A : i32 to vector<1x8192xi32>
      %ne3A_418 = arith.cmpi ne, %rem3A_416, %ne3A_417 : vector<1x8192xi32>
      %convert_element_type3A = arith.extui %ne3A_418 : vector<1x8192xi1> to vector<1x8192xi32>
      %convert_element_type3A_419 = arith.sitofp %convert_element_type3A : vector<1x8192xi32> to vector<1x8192xf32>
      %ne3A_420 = arith.constant 199 : i32
      %ne3A_421 = vector.broadcast %ne3A_420 : i32 to vector<1x8192xi32>
      %ne3A_422 = arith.cmpi ne, %rem3A_416, %ne3A_421 : vector<1x8192xi32>
      %convert_element_type3A_423 = arith.extui %ne3A_422 : vector<1x8192xi1> to vector<1x8192xi32>
      %convert_element_type3A_424 = arith.sitofp %convert_element_type3A_423 : vector<1x8192xi32> to vector<1x8192xf32>
      %mul3A_425 = arith.constant 8192 : i32
      %mul3A_426 = arith.muli %scan3A_411, %mul3A_425 : i32
      %multiple_of3A = tpu.assume_multiple %mul3A_426, 128 : i32
      %mul3A_427 = arith.constant 8192 : i32
      %mul3A_428 = arith.muli %scan3A_411, %mul3A_427 : i32
      %multiple_of3A_429 = tpu.assume_multiple %mul3A_428, 128 : i32
      %get3A_430 = arith.constant 0 : index
      %get3A_431 = arith.index_cast %multiple_of3A_429 : i32 to index
      %get3A_432 = vector.load %arg9[%get3A_430, %get3A_431] : memref<32x41472xf32, #tpu.memory_space<vmem>>, vector<32x8704xf32>
      %slice3A = vector.extract_strided_slice %get3A_432 {offsets = [0, 55], sizes = [32, 8192], strides = [1, 1]} : vector<32x8704xf32> to vector<32x8192xf32>
      %mul3A_433 = vector.broadcast %convert_element_type3A_419 : vector<1x8192xf32> to vector<32x8192xf32>
      %mul3A_434 = arith.mulf %slice3A, %mul3A_433 : vector<32x8192xf32>
      %get3A_435 = arith.constant 0 : index
      %get3A_436 = arith.constant 0 : index
      %get3A_437 = arith.constant 0 : index
      %get3A_438 = arith.constant 0 : index
      %get3A_439 = vector.load %arg4[%get3A_435, %get3A_436, %get3A_437, %get3A_438] : memref<3x3x64x32xf32, #tpu.memory_space<vmem>>, vector<1x1x64x32xf32>
      %get3A_440 = vector.shape_cast %get3A_439 : vector<1x1x64x32xf32> to vector<64x32xf32>
      %dot_general3A = arith.constant dense<0.000000e+00> : vector<64x8192xf32>
      %dot_general3A_441 = tpu.matmul %get3A_440, %mul3A_434, %dot_general3A {dimension_numbers = #tpu.dot_dimension_numbers<[1], [0], [0], [1], [0, 0, 1, 1], [], []>, transpose_lhs_hint = false} : vector<64x32xf32>, vector<32x8192xf32>, vector<64x8192xf32> -> vector<64x8192xf32>
      %slice3A_442 = vector.extract_strided_slice %get3A_432 {offsets = [0, 56], sizes = [32, 8192], strides = [1, 1]} : vector<32x8704xf32> to vector<32x8192xf32>
      %get3A_443 = arith.constant 0 : index
      %get3A_444 = arith.constant 1 : index
      %get3A_445 = arith.constant 0 : index
      %get3A_446 = arith.constant 0 : index
      %get3A_447 = vector.load %arg4[%get3A_443, %get3A_444, %get3A_445, %get3A_446] : memref<3x3x64x32xf32, #tpu.memory_space<vmem>>, vector<1x1x64x32xf32>
      %get3A_448 = vector.shape_cast %get3A_447 : vector<1x1x64x32xf32> to vector<64x32xf32>
      %dot_general3A_449 = arith.constant dense<0.000000e+00> : vector<64x8192xf32>
      %dot_general3A_450 = tpu.matmul %get3A_448, %slice3A_442, %dot_general3A_449 {dimension_numbers = #tpu.dot_dimension_numbers<[1], [0], [0], [1], [0, 0, 1, 1], [], []>, transpose_lhs_hint = false} : vector<64x32xf32>, vector<32x8192xf32>, vector<64x8192xf32> -> vector<64x8192xf32>
      %add3A_451 = arith.addf %dot_general3A_441, %dot_general3A_450 : vector<64x8192xf32>
      %slice3A_452 = vector.extract_strided_slice %get3A_432 {offsets = [0, 57], sizes = [32, 8192], strides = [1, 1]} : vector<32x8704xf32> to vector<32x8192xf32>
      %mul3A_453 = vector.broadcast %convert_element_type3A_424 : vector<1x8192xf32> to vector<32x8192xf32>
      %mul3A_454 = arith.mulf %slice3A_452, %mul3A_453 : vector<32x8192xf32>
      %get3A_455 = arith.constant 0 : index
      %get3A_456 = arith.constant 2 : index
      %get3A_457 = arith.constant 0 : index
      %get3A_458 = arith.constant 0 : index
      %get3A_459 = vector.load %arg4[%get3A_455, %get3A_456, %get3A_457, %get3A_458] : memref<3x3x64x32xf32, #tpu.memory_space<vmem>>, vector<1x1x64x32xf32>
      %get3A_460 = vector.shape_cast %get3A_459 : vector<1x1x64x32xf32> to vector<64x32xf32>
      %dot_general3A_461 = arith.constant dense<0.000000e+00> : vector<64x8192xf32>
      %dot_general3A_462 = tpu.matmul %get3A_460, %mul3A_454, %dot_general3A_461 {dimension_numbers = #tpu.dot_dimension_numbers<[1], [0], [0], [1], [0, 0, 1, 1], [], []>, transpose_lhs_hint = false} : vector<64x32xf32>, vector<32x8192xf32>, vector<64x8192xf32> -> vector<64x8192xf32>
      %add3A_463 = arith.addf %add3A_451, %dot_general3A_462 : vector<64x8192xf32>
      %slice3A_464 = vector.extract_strided_slice %get3A_432 {offsets = [0, 255], sizes = [32, 8192], strides = [1, 1]} : vector<32x8704xf32> to vector<32x8192xf32>
      %mul3A_465 = vector.broadcast %convert_element_type3A_419 : vector<1x8192xf32> to vector<32x8192xf32>
      %mul3A_466 = arith.mulf %slice3A_464, %mul3A_465 : vector<32x8192xf32>
      %get3A_467 = arith.constant 1 : index
      %get3A_468 = arith.constant 0 : index
      %get3A_469 = arith.constant 0 : index
      %get3A_470 = arith.constant 0 : index
      %get3A_471 = vector.load %arg4[%get3A_467, %get3A_468, %get3A_469, %get3A_470] : memref<3x3x64x32xf32, #tpu.memory_space<vmem>>, vector<1x1x64x32xf32>
      %get3A_472 = vector.shape_cast %get3A_471 : vector<1x1x64x32xf32> to vector<64x32xf32>
      %dot_general3A_473 = arith.constant dense<0.000000e+00> : vector<64x8192xf32>
      %dot_general3A_474 = tpu.matmul %get3A_472, %mul3A_466, %dot_general3A_473 {dimension_numbers = #tpu.dot_dimension_numbers<[1], [0], [0], [1], [0, 0, 1, 1], [], []>, transpose_lhs_hint = false} : vector<64x32xf32>, vector<32x8192xf32>, vector<64x8192xf32> -> vector<64x8192xf32>
      %add3A_475 = arith.addf %add3A_463, %dot_general3A_474 : vector<64x8192xf32>
      %slice3A_476 = vector.extract_strided_slice %get3A_432 {offsets = [0, 256], sizes = [32, 8192], strides = [1, 1]} : vector<32x8704xf32> to vector<32x8192xf32>
      %get3A_477 = arith.constant 1 : index
      %get3A_478 = arith.constant 1 : index
      %get3A_479 = arith.constant 0 : index
      %get3A_480 = arith.constant 0 : index
      %get3A_481 = vector.load %arg4[%get3A_477, %get3A_478, %get3A_479, %get3A_480] : memref<3x3x64x32xf32, #tpu.memory_space<vmem>>, vector<1x1x64x32xf32>
      %get3A_482 = vector.shape_cast %get3A_481 : vector<1x1x64x32xf32> to vector<64x32xf32>
      %dot_general3A_483 = arith.constant dense<0.000000e+00> : vector<64x8192xf32>
      %dot_general3A_484 = tpu.matmul %get3A_482, %slice3A_476, %dot_general3A_483 {dimension_numbers = #tpu.dot_dimension_numbers<[1], [0], [0], [1], [0, 0, 1, 1], [], []>, transpose_lhs_hint = false} : vector<64x32xf32>, vector<32x8192xf32>, vector<64x8192xf32> -> vector<64x8192xf32>
      %add3A_485 = arith.addf %add3A_475, %dot_general3A_484 : vector<64x8192xf32>
      %slice3A_486 = vector.extract_strided_slice %get3A_432 {offsets = [0, 257], sizes = [32, 8192], strides = [1, 1]} : vector<32x8704xf32> to vector<32x8192xf32>
      %mul3A_487 = vector.broadcast %convert_element_type3A_424 : vector<1x8192xf32> to vector<32x8192xf32>
      %mul3A_488 = arith.mulf %slice3A_486, %mul3A_487 : vector<32x8192xf32>
      %get3A_489 = arith.constant 1 : index
      %get3A_490 = arith.constant 2 : index
      %get3A_491 = arith.constant 0 : index
      %get3A_492 = arith.constant 0 : index
      %get3A_493 = vector.load %arg4[%get3A_489, %get3A_490, %get3A_491, %get3A_492] : memref<3x3x64x32xf32, #tpu.memory_space<vmem>>, vector<1x1x64x32xf32>
      %get3A_494 = vector.shape_cast %get3A_493 : vector<1x1x64x32xf32> to vector<64x32xf32>
      %dot_general3A_495 = arith.constant dense<0.000000e+00> : vector<64x8192xf32>
      %dot_general3A_496 = tpu.matmul %get3A_494, %mul3A_488, %dot_general3A_495 {dimension_numbers = #tpu.dot_dimension_numbers<[1], [0], [0], [1], [0, 0, 1, 1], [], []>, transpose_lhs_hint = false} : vector<64x32xf32>, vector<32x8192xf32>, vector<64x8192xf32> -> vector<64x8192xf32>
      %add3A_497 = arith.addf %add3A_485, %dot_general3A_496 : vector<64x8192xf32>
      %slice3A_498 = vector.extract_strided_slice %get3A_432 {offsets = [0, 455], sizes = [32, 8192], strides = [1, 1]} : vector<32x8704xf32> to vector<32x8192xf32>
      %mul3A_499 = vector.broadcast %convert_element_type3A_419 : vector<1x8192xf32> to vector<32x8192xf32>
      %mul3A_500 = arith.mulf %slice3A_498, %mul3A_499 : vector<32x8192xf32>
      %get3A_501 = arith.constant 2 : index
      %get3A_502 = arith.constant 0 : index
      %get3A_503 = arith.constant 0 : index
      %get3A_504 = arith.constant 0 : index
      %get3A_505 = vector.load %arg4[%get3A_501, %get3A_502, %get3A_503, %get3A_504] : memref<3x3x64x32xf32, #tpu.memory_space<vmem>>, vector<1x1x64x32xf32>
      %get3A_506 = vector.shape_cast %get3A_505 : vector<1x1x64x32xf32> to vector<64x32xf32>
      %dot_general3A_507 = arith.constant dense<0.000000e+00> : vector<64x8192xf32>
      %dot_general3A_508 = tpu.matmul %get3A_506, %mul3A_500, %dot_general3A_507 {dimension_numbers = #tpu.dot_dimension_numbers<[1], [0], [0], [1], [0, 0, 1, 1], [], []>, transpose_lhs_hint = false} : vector<64x32xf32>, vector<32x8192xf32>, vector<64x8192xf32> -> vector<64x8192xf32>
      %add3A_509 = arith.addf %add3A_497, %dot_general3A_508 : vector<64x8192xf32>
      %slice3A_510 = vector.extract_strided_slice %get3A_432 {offsets = [0, 456], sizes = [32, 8192], strides = [1, 1]} : vector<32x8704xf32> to vector<32x8192xf32>
      %get3A_511 = arith.constant 2 : index
      %get3A_512 = arith.constant 1 : index
      %get3A_513 = arith.constant 0 : index
      %get3A_514 = arith.constant 0 : index
      %get3A_515 = vector.load %arg4[%get3A_511, %get3A_512, %get3A_513, %get3A_514] : memref<3x3x64x32xf32, #tpu.memory_space<vmem>>, vector<1x1x64x32xf32>
      %get3A_516 = vector.shape_cast %get3A_515 : vector<1x1x64x32xf32> to vector<64x32xf32>
      %dot_general3A_517 = arith.constant dense<0.000000e+00> : vector<64x8192xf32>
      %dot_general3A_518 = tpu.matmul %get3A_516, %slice3A_510, %dot_general3A_517 {dimension_numbers = #tpu.dot_dimension_numbers<[1], [0], [0], [1], [0, 0, 1, 1], [], []>, transpose_lhs_hint = false} : vector<64x32xf32>, vector<32x8192xf32>, vector<64x8192xf32> -> vector<64x8192xf32>
      %add3A_519 = arith.addf %add3A_509, %dot_general3A_518 : vector<64x8192xf32>
      %slice3A_520 = vector.extract_strided_slice %get3A_432 {offsets = [0, 457], sizes = [32, 8192], strides = [1, 1]} : vector<32x8704xf32> to vector<32x8192xf32>
      %mul3A_521 = vector.broadcast %convert_element_type3A_424 : vector<1x8192xf32> to vector<32x8192xf32>
      %mul3A_522 = arith.mulf %slice3A_520, %mul3A_521 : vector<32x8192xf32>
      %get3A_523 = arith.constant 2 : index
      %get3A_524 = arith.constant 2 : index
      %get3A_525 = arith.constant 0 : index
      %get3A_526 = arith.constant 0 : index
      %get3A_527 = vector.load %arg4[%get3A_523, %get3A_524, %get3A_525, %get3A_526] : memref<3x3x64x32xf32, #tpu.memory_space<vmem>>, vector<1x1x64x32xf32>
      %get3A_528 = vector.shape_cast %get3A_527 : vector<1x1x64x32xf32> to vector<64x32xf32>
      %dot_general3A_529 = arith.constant dense<0.000000e+00> : vector<64x8192xf32>
      %dot_general3A_530 = tpu.matmul %get3A_528, %mul3A_522, %dot_general3A_529 {dimension_numbers = #tpu.dot_dimension_numbers<[1], [0], [0], [1], [0, 0, 1, 1], [], []>, transpose_lhs_hint = false} : vector<64x32xf32>, vector<32x8192xf32>, vector<64x8192xf32> -> vector<64x8192xf32>
      %add3A_531 = arith.addf %add3A_519, %dot_general3A_530 : vector<64x8192xf32>
      %swap3A_532 = arith.constant 0 : index
      %swap3A_533 = arith.index_cast %multiple_of3A : i32 to index
      %swap3A_534 = vector.load %arg5[%swap3A_532, %swap3A_533] : memref<64x40960xf32, #tpu.memory_space<vmem>>, vector<64x8192xf32>
      tpu.vector_store %arg5[%swap3A_532, %swap3A_533], %add3A_531 {strides = array<i32>} : memref<64x40960xf32, #tpu.memory_space<vmem>>, vector<64x8192xf32>,
    }
    %scan3A_382 = arith.constant 5 : i32
    %broadcast_in_dim3A_383 = arith.constant 0.000000e+00 : f32
    %broadcast_in_dim3A_384 = vector.broadcast %broadcast_in_dim3A_383 : f32 to vector<64x1xf32>
    %scan3A_385 = arith.constant 0 : i32
    %scan3A_386 = arith.constant 5 : i32
    %scan3A_387 = arith.addi %scan3A_385, %scan3A_386 : i32
    %scan3A_388 = arith.constant 1 : i32
    %scan3A_389 = scf.for %scan3A_411 = %scan3A_385 to %scan3A_387 step %scan3A_388 iter_args(%scan3A_412 = %broadcast_in_dim3A_384) -> (vector<64x1xf32>)  : i32 {
      %mul3A = arith.constant 8192 : i32
      %mul3A_413 = arith.muli %scan3A_411, %mul3A : i32
      %iota3A_414 = tpu.iota {dimensions = array<i32: 1>} : vector<1x8192xi32>
      %add3A = vector.broadcast %mul3A_413 : i32 to vector<1x8192xi32>
      %add3A_415 = arith.addi %add3A, %iota3A_414 : vector<1x8192xi32>
      %lt3A = arith.constant 40000 : i32
      %lt3A_416 = vector.broadcast %lt3A : i32 to vector<1x8192xi32>
      %lt3A_417 = arith.cmpi slt, %add3A_415, %lt3A_416 : vector<1x8192xi32>
      %convert_element_type3A = arith.extui %lt3A_417 : vector<1x8192xi1> to vector<1x8192xi32>
      %convert_element_type3A_418 = arith.sitofp %convert_element_type3A : vector<1x8192xi32> to vector<1x8192xf32>
      %mul3A_419 = arith.constant 8192 : i32
      %mul3A_420 = arith.muli %scan3A_411, %mul3A_419 : i32
      %multiple_of3A = tpu.assume_multiple %mul3A_420, 128 : i32
      %get3A_421 = arith.constant 0 : index
      %get3A_422 = arith.index_cast %multiple_of3A : i32 to index
      %get3A_423 = vector.load %arg5[%get3A_421, %get3A_422] : memref<64x40960xf32, #tpu.memory_space<vmem>>, vector<64x8192xf32>
      %mul3A_424 = vector.broadcast %convert_element_type3A_418 : vector<1x8192xf32> to vector<64x8192xf32>
      %mul3A_425 = arith.mulf %get3A_423, %mul3A_424 : vector<64x8192xf32>
      %reduce_sum3A_426 = arith.constant dense<0.000000e+00> : vector<64xf32>
      %reduce_sum3A_427 = vector.multi_reduction <add>, %mul3A_425, %reduce_sum3A_426 [1] : vector<64x8192xf32> to vector<64xf32>
      %broadcast_in_dim3A_428 = vector.shape_cast %reduce_sum3A_427 : vector<64xf32> to vector<64x1xf32>
      %add3A_429 = arith.addf %scan3A_412, %broadcast_in_dim3A_428 : vector<64x1xf32>
      scf.yield %add3A_429 : vector<64x1xf32>
    }
    %scan3A_390 = arith.constant 5 : i32
    %div3A_391 = arith.constant 4.000000e+04 : f32
    %div3A_392 = vector.broadcast %div3A_391 : f32 to vector<64x1xf32>
    %div3A_393 = arith.divf %scan3A_389, %div3A_392 : vector<64x1xf32>
    %swap3A_394 = arith.constant 0 : index
    %swap3A_395 = arith.constant 0 : index
    %swap3A_396 = vector.load %arg6[%swap3A_394, %swap3A_395] : memref<64x1xf32, #tpu.memory_space<vmem>>, vector<64x1xf32>
    tpu.vector_store %arg6[%swap3A_394, %swap3A_395], %div3A_393 {strides = array<i32>} : memref<64x1xf32, #tpu.memory_space<vmem>>, vector<64x1xf32>,
    %broadcast_in_dim3A_397 = arith.constant 0.000000e+00 : f32
    %broadcast_in_dim3A_398 = vector.broadcast %broadcast_in_dim3A_397 : f32 to vector<64x1xf32>
    %scan3A_399 = arith.constant 0 : i32
    %scan3A_400 = arith.constant 5 : i32
    %scan3A_401 = arith.addi %scan3A_399, %scan3A_400 : i32
    %scan3A_402 = arith.constant 1 : i32
    %scan3A_403 = scf.for %scan3A_411 = %scan3A_399 to %scan3A_401 step %scan3A_402 iter_args(%scan3A_412 = %broadcast_in_dim3A_398) -> (vector<64x1xf32>)  : i32 {
      %mul3A = arith.constant 8192 : i32
      %mul3A_413 = arith.muli %scan3A_411, %mul3A : i32
      %iota3A_414 = tpu.iota {dimensions = array<i32: 1>} : vector<1x8192xi32>
      %add3A = vector.broadcast %mul3A_413 : i32 to vector<1x8192xi32>
      %add3A_415 = arith.addi %add3A, %iota3A_414 : vector<1x8192xi32>
      %lt3A = arith.constant 40000 : i32
      %lt3A_416 = vector.broadcast %lt3A : i32 to vector<1x8192xi32>
      %lt3A_417 = arith.cmpi slt, %add3A_415, %lt3A_416 : vector<1x8192xi32>
      %convert_element_type3A = arith.extui %lt3A_417 : vector<1x8192xi1> to vector<1x8192xi32>
      %convert_element_type3A_418 = arith.sitofp %convert_element_type3A : vector<1x8192xi32> to vector<1x8192xf32>
      %mul3A_419 = arith.constant 8192 : i32
      %mul3A_420 = arith.muli %scan3A_411, %mul3A_419 : i32
      %multiple_of3A = tpu.assume_multiple %mul3A_420, 128 : i32
      %get3A_421 = arith.constant 0 : index
      %get3A_422 = arith.index_cast %multiple_of3A : i32 to index
      %get3A_423 = vector.load %arg5[%get3A_421, %get3A_422] : memref<64x40960xf32, #tpu.memory_space<vmem>>, vector<64x8192xf32>
      %sub3A = vector.broadcast %div3A_393 : vector<64x1xf32> to vector<64x8192xf32>
      %sub3A_424 = arith.subf %get3A_423, %sub3A : vector<64x8192xf32>
      %mul3A_425 = vector.broadcast %convert_element_type3A_418 : vector<1x8192xf32> to vector<64x8192xf32>
      %mul3A_426 = arith.mulf %sub3A_424, %mul3A_425 : vector<64x8192xf32>
      %mul3A_427 = arith.mulf %mul3A_426, %mul3A_426 : vector<64x8192xf32>
      %reduce_sum3A_428 = arith.constant dense<0.000000e+00> : vector<64xf32>
      %reduce_sum3A_429 = vector.multi_reduction <add>, %mul3A_427, %reduce_sum3A_428 [1] : vector<64x8192xf32> to vector<64xf32>
      %broadcast_in_dim3A_430 = vector.shape_cast %reduce_sum3A_429 : vector<64xf32> to vector<64x1xf32>
      %add3A_431 = arith.addf %scan3A_412, %broadcast_in_dim3A_430 : vector<64x1xf32>
      scf.yield %add3A_431 : vector<64x1xf32>
    }
    %scan3A_404 = arith.constant 5 : i32
    %div3A_405 = arith.constant 4.000000e+04 : f32
    %div3A_406 = vector.broadcast %div3A_405 : f32 to vector<64x1xf32>
    %div3A_407 = arith.divf %scan3A_403, %div3A_406 : vector<64x1xf32>
    %swap3A_408 = arith.constant 0 : index
    %swap3A_409 = arith.constant 0 : index
    %swap3A_410 = vector.load %arg7[%swap3A_408, %swap3A_409] : memref<64x1xf32, #tpu.memory_space<vmem>>, vector<64x1xf32>
    tpu.vector_store %arg7[%swap3A_408, %swap3A_409], %div3A_407 {strides = array<i32>} : memref<64x1xf32, #tpu.memory_space<vmem>>, vector<64x1xf32>,
    return
  }
}

module attributes {stable_mosaic.version = 14 : i64} {
  func.func @_tc2_body(%arg0: memref<64x40960xf32, #tpu.memory_space<vmem>>, %arg1: memref<64x1xf32, #tpu.memory_space<vmem>>, %arg2: memref<64x1xf32, #tpu.memory_space<vmem>>, %arg3: memref<64x1xf32, #tpu.memory_space<vmem>>, %arg4: memref<64x1xf32, #tpu.memory_space<vmem>>, %arg5: memref<128x64xf32, #tpu.memory_space<vmem>>, %arg6: memref<128x1xf32, #tpu.memory_space<vmem>>, %arg7: memref<128x40000xf32, #tpu.memory_space<vmem>>) attributes {dimension_semantics = [], scalar_prefetch = 0 : i64, scratch_operands = 0 : i64, tpu.core_type = #tpu.core_type<tc>} {
    %scan3A = arith.constant 0 : i32
    %scan3A_0 = arith.constant 4 : i32
    %scan3A_1 = arith.addi %scan3A, %scan3A_0 : i32
    %scan3A_2 = arith.constant 1 : i32
    scf.for %scan3A_38 = %scan3A to %scan3A_1 step %scan3A_2  : i32 {
      %mul3A_39 = arith.constant 8192 : i32
      %mul3A_40 = arith.muli %scan3A_38, %mul3A_39 : i32
      %multiple_of3A = tpu.assume_multiple %mul3A_40, 128 : i32
      %get3A_41 = arith.constant 0 : index
      %get3A_42 = arith.index_cast %multiple_of3A : i32 to index
      %get3A_43 = vector.load %arg0[%get3A_41, %get3A_42] : memref<64x40960xf32, #tpu.memory_space<vmem>>, vector<64x8192xf32>
      %get3A_44 = arith.constant 0 : index
      %get3A_45 = arith.constant 0 : index
      %get3A_46 = vector.load %arg1[%get3A_44, %get3A_45] : memref<64x1xf32, #tpu.memory_space<vmem>>, vector<64x1xf32>
      %get3A_47 = arith.constant 0 : index
      %get3A_48 = arith.constant 0 : index
      %get3A_49 = vector.load %arg3[%get3A_47, %get3A_48] : memref<64x1xf32, #tpu.memory_space<vmem>>, vector<64x1xf32>
      %sub3A_50 = vector.broadcast %get3A_49 : vector<64x1xf32> to vector<64x8192xf32>
      %sub3A_51 = arith.subf %get3A_43, %sub3A_50 : vector<64x8192xf32>
      %mul3A_52 = vector.broadcast %get3A_46 : vector<64x1xf32> to vector<64x8192xf32>
      %mul3A_53 = arith.mulf %mul3A_52, %sub3A_51 : vector<64x8192xf32>
      %get3A_54 = arith.constant 0 : index
      %get3A_55 = arith.constant 0 : index
      %get3A_56 = vector.load %arg4[%get3A_54, %get3A_55] : memref<64x1xf32, #tpu.memory_space<vmem>>, vector<64x1xf32>
      %add3A_57 = arith.constant 9.99999974E-6 : f32
      %add3A_58 = vector.broadcast %add3A_57 : f32 to vector<64x1xf32>
      %add3A_59 = arith.addf %get3A_56, %add3A_58 : vector<64x1xf32>
      %sqrt3A_60 = math.sqrt %add3A_59 : vector<64x1xf32>
      %div3A_61 = vector.broadcast %sqrt3A_60 : vector<64x1xf32> to vector<64x8192xf32>
      %div3A_62 = arith.divf %mul3A_53, %div3A_61 : vector<64x8192xf32>
      %get3A_63 = arith.constant 0 : index
      %get3A_64 = arith.constant 0 : index
      %get3A_65 = vector.load %arg2[%get3A_63, %get3A_64] : memref<64x1xf32, #tpu.memory_space<vmem>>, vector<64x1xf32>
      %add3A_66 = vector.broadcast %get3A_65 : vector<64x1xf32> to vector<64x8192xf32>
      %add3A_67 = arith.addf %div3A_62, %add3A_66 : vector<64x8192xf32>
      %get3A_68 = arith.constant 0 : index
      %get3A_69 = arith.constant 0 : index
      %get3A_70 = vector.load %arg5[%get3A_68, %get3A_69] : memref<128x64xf32, #tpu.memory_space<vmem>>, vector<128x64xf32>
      %max3A_71 = arith.constant 0.000000e+00 : f32
      %max3A_72 = vector.broadcast %max3A_71 : f32 to vector<64x8192xf32>
      %max3A_73 = arith.maximumf %add3A_67, %max3A_72 : vector<64x8192xf32>
      %dot_general3A_74 = arith.constant dense<0.000000e+00> : vector<128x8192xf32>
      %dot_general3A_75 = tpu.matmul %get3A_70, %max3A_73, %dot_general3A_74 {dimension_numbers = #tpu.dot_dimension_numbers<[1], [0], [0], [1], [0, 0, 1, 1], [], []>, transpose_lhs_hint = false} : vector<128x64xf32>, vector<64x8192xf32>, vector<128x8192xf32> -> vector<128x8192xf32>
      %get3A_76 = arith.constant 0 : index
      %get3A_77 = arith.constant 0 : index
      %get3A_78 = vector.load %arg6[%get3A_76, %get3A_77] : memref<128x1xf32, #tpu.memory_space<vmem>>, vector<128x1xf32>
      %add3A_79 = vector.broadcast %get3A_78 : vector<128x1xf32> to vector<128x8192xf32>
      %add3A_80 = arith.addf %dot_general3A_75, %add3A_79 : vector<128x8192xf32>
      %swap3A_81 = arith.constant 0 : index
      %swap3A_82 = arith.index_cast %multiple_of3A : i32 to index
      %swap3A_83 = vector.load %arg7[%swap3A_81, %swap3A_82] : memref<128x40000xf32, #tpu.memory_space<vmem>>, vector<128x8192xf32>
      tpu.vector_store %arg7[%swap3A_81, %swap3A_82], %add3A_80 {strides = array<i32>} : memref<128x40000xf32, #tpu.memory_space<vmem>>, vector<128x8192xf32>,
    }
    %scan3A_3 = arith.constant 4 : i32
    %get3A = arith.constant 0 : index
    %get3A_4 = arith.constant 31808 : index
    %get3A_5 = vector.load %arg0[%get3A, %get3A_4] : memref<64x40960xf32, #tpu.memory_space<vmem>>, vector<64x8192xf32>
    %get3A_6 = arith.constant 0 : index
    %get3A_7 = arith.constant 0 : index
    %get3A_8 = vector.load %arg1[%get3A_6, %get3A_7] : memref<64x1xf32, #tpu.memory_space<vmem>>, vector<64x1xf32>
    %get3A_9 = arith.constant 0 : index
    %get3A_10 = arith.constant 0 : index
    %get3A_11 = vector.load %arg3[%get3A_9, %get3A_10] : memref<64x1xf32, #tpu.memory_space<vmem>>, vector<64x1xf32>
    %sub3A = vector.broadcast %get3A_11 : vector<64x1xf32> to vector<64x8192xf32>
    %sub3A_12 = arith.subf %get3A_5, %sub3A : vector<64x8192xf32>
    %mul3A = vector.broadcast %get3A_8 : vector<64x1xf32> to vector<64x8192xf32>
    %mul3A_13 = arith.mulf %mul3A, %sub3A_12 : vector<64x8192xf32>
    %get3A_14 = arith.constant 0 : index
    %get3A_15 = arith.constant 0 : index
    %get3A_16 = vector.load %arg4[%get3A_14, %get3A_15] : memref<64x1xf32, #tpu.memory_space<vmem>>, vector<64x1xf32>
    %add3A = arith.constant 9.99999974E-6 : f32
    %add3A_17 = vector.broadcast %add3A : f32 to vector<64x1xf32>
    %add3A_18 = arith.addf %get3A_16, %add3A_17 : vector<64x1xf32>
    %sqrt3A = math.sqrt %add3A_18 : vector<64x1xf32>
    %div3A = vector.broadcast %sqrt3A : vector<64x1xf32> to vector<64x8192xf32>
    %div3A_19 = arith.divf %mul3A_13, %div3A : vector<64x8192xf32>
    %get3A_20 = arith.constant 0 : index
    %get3A_21 = arith.constant 0 : index
    %get3A_22 = vector.load %arg2[%get3A_20, %get3A_21] : memref<64x1xf32, #tpu.memory_space<vmem>>, vector<64x1xf32>
    %add3A_23 = vector.broadcast %get3A_22 : vector<64x1xf32> to vector<64x8192xf32>
    %add3A_24 = arith.addf %div3A_19, %add3A_23 : vector<64x8192xf32>
    %get3A_25 = arith.constant 0 : index
    %get3A_26 = arith.constant 0 : index
    %get3A_27 = vector.load %arg5[%get3A_25, %get3A_26] : memref<128x64xf32, #tpu.memory_space<vmem>>, vector<128x64xf32>
    %max3A = arith.constant 0.000000e+00 : f32
    %max3A_28 = vector.broadcast %max3A : f32 to vector<64x8192xf32>
    %max3A_29 = arith.maximumf %add3A_24, %max3A_28 : vector<64x8192xf32>
    %dot_general3A = arith.constant dense<0.000000e+00> : vector<128x8192xf32>
    %dot_general3A_30 = tpu.matmul %get3A_27, %max3A_29, %dot_general3A {dimension_numbers = #tpu.dot_dimension_numbers<[1], [0], [0], [1], [0, 0, 1, 1], [], []>, transpose_lhs_hint = false} : vector<128x64xf32>, vector<64x8192xf32>, vector<128x8192xf32> -> vector<128x8192xf32>
    %get3A_31 = arith.constant 0 : index
    %get3A_32 = arith.constant 0 : index
    %get3A_33 = vector.load %arg6[%get3A_31, %get3A_32] : memref<128x1xf32, #tpu.memory_space<vmem>>, vector<128x1xf32>
    %add3A_34 = vector.broadcast %get3A_33 : vector<128x1xf32> to vector<128x8192xf32>
    %add3A_35 = arith.addf %dot_general3A_30, %add3A_34 : vector<128x8192xf32>
    %swap3A = arith.constant 0 : index
    %swap3A_36 = arith.constant 31808 : index
    %swap3A_37 = vector.load %arg7[%swap3A, %swap3A_36] : memref<128x40000xf32, #tpu.memory_space<vmem>>, vector<128x8192xf32>
    tpu.vector_store %arg7[%swap3A, %swap3A_36], %add3A_35 {strides = array<i32>} : memref<128x40000xf32, #tpu.memory_space<vmem>>, vector<128x8192xf32>,
    return
  }
}

</mosaic_0001>

<sc_bundles>
// kernel: kernel.5.cloned.1.call-start
scs
__scs_entry_jumppad:
0x0: {  	(pc) =	sbr.rel $0x88, $3  }
0x1: {  	(tag) =	ssettag $0x0;
	lr =	simm.s32 $0x1  }
0x2: {  	[smem:$0x3F98] =	sst lr;
	_ =	strace $0xD0000000  }
0x3: {  	_ = 	snop  }
0x4: {  	_ = 	snop  }
0x5: {  	_ = 	snop  }
0x6: {  	_ = 	snop  }
0x7: {  	_ = 	snop  }
__scs_overlays_trampoline_lowered:
0x8: {  	[smem:$0x3FA7] =	sst s0  }
0x9: {  	[smem:$0x3FA8] =	sst s1  }
0xa: {  	[smem:$0x3FA9] =	sst s2  }
0xb: {  	[smem:$0x3FAA] =	sst s3  }
0xc: {  	[smem:$0x3FAB] =	sst s4  }
0xd: {  	[smem:$0x3FAC] =	sst s5  }
0xe: {  	[smem:$0x3FAD] =	sst s6  }
0xf: {  	[smem:$0x3FAE] =	sst s7  }
0x10: {  	[smem:$0x3FAF] =	sst s8  }
0x11: {  	[smem:$0x3FB0] =	sst s9;
	s0 =	simm.s32 @!p0 $0x0  }
0x12: {  	s1 =	sld [smem:$0x3F96];
	s0 =	simm.s32 @p0 $0x1  }
0x13: {  	[smem:$0x3FB1] =	sst s0;
	s0 =	simm.s32 @!p1 $0x0  }
0x14: {  	s2 =	sld [smem:$0x3F95];
	s0 =	simm.s32 @p1 $0x1  }
0x15: {  	[smem:$0x3FB2] =	sst s0;
	s0 =	simm.s32 @!p2 $0x0  }
0x16: {  	s3 =	sld [smem:$0x3FDB];
	s0 =	simm.s32 @p2 $0x1  }
0x17: {  	s4 =	simm.s32 $0x1BF5;
	[smem:$0x3FB4] =	sst s0  }
0x18: {  	s0 =	sld [smem:$0x3F97];
	_ =	swait.ge [sflag:s4], $0x0  }
0x19: {  	s7 =	sld [smem:$0x3F98]  }
0x1a: {  	s8 =	sadd.s32 $0xFFFFE003, lr  }
0x1b: {  	s9 =	sadd.s32 $0xFFFFFEF7, lr;
	s5 =	simm.s32 $0xFFFFFFFF;
	p2 =	slt.u32 s8, $0xFFFFF086  }
0x1c: {  	p1 =	slt.u32 s9, $0xF7A;
	s5 =	simm.s32 @!p2 $0x0  }
0x1d: {  	s5 =	simm.s32 @p1 $0x1;
	p0 =	seq.s32 s7, s2  }
0x1e: {  	s7 =	smul.u32 @!p0 $0xF7A, s2;
	p2 =	seq.s32 @!p0 s5, $0x0  }
0x1f: {  	s9 =	smul.u32 $0xF7A, s1;
	s8 =	simm.s32 @!p0 $0x1BF5;
	p2 =	por !p2, p0  }
0x20: {  	[sflag:s8] =	ssyncset.s32 @!p0 $0xFFFFF086;
	s6 =	sadd.s32 @!p0 s3, s7;
	s7 =	simm.s32 @!p0 $0x108  }
0x21: {  	s3 =	sadd.s32 s3, s9;
	s6 =	sadd.s32 @!p0 $0x88, s6;
	s7 =	simm.s32 @p2 $0x1082  }
0x22: {  	[simem:s7], [sflag:s8] =	dma.local @!p0 [hbm:s6], $0xF7A  }
0x23: {  	s9 =	sor.u32 $0xD0000000, s2;
	s6 =	simm.s32 $0x108;
	_ =	swait.ge @!p0 [sflag:s8], $0x0  }
0x24: {  	s3 =	sadd.s32 $0x88, s3;
	s6 =	simm.s32 @!p1 $0x1082;
	[sflag:s4] =	ssyncset.s32 $0xFFFFF086  }
0x25: {  	[simem:s6], [sflag:s4] =	dma.local [hbm:s3], $0xF7A  }
0x26: {  	[smem:$0x3F98] =	sst s1;
	(tag) =	ssettag s2;
	_ =	strace s9  }
0x27: {  	s1 =	sld [smem:$0x3FA8]  }
0x28: {  	s2 =	sld [smem:$0x3FA9]  }
0x29: {  	s4 =	sld [smem:$0x3FAB]  }
0x2a: {  	p0 =	seq.s32 s5, $0x0;
	s5 =	sld [smem:$0x3FAC]  }
0x2b: {  	s6 =	sld [smem:$0x3FAD]  }
0x2c: {  	s7 =	sld [smem:$0x3FAE]  }
0x2d: {  	s3 =	simm.s32 $0x108;
	s8 =	sld [smem:$0x3FAF]  }
0x2e: {  	s3 =	simm.s32 @!p0 $0x1082;
	s9 =	sld [smem:$0x3FB0]  }
0x2f: {  	lr =	sadd.s32 s0, s3;
	s0 =	sld [smem:$0x3FA7]  }
0x30: {  	s3 =	sld [smem:$0x3FAA]  }
0x31: {  	[smem:$0x3FB3] =	sst s10  }
0x32: {  	s10 =	sld [smem:$0x3FB1];
	_ =	sdelay $0x3  }
0x33: {  	p0 =	seq.s32 s10, $0x1;
	s10 =	sld [smem:$0x3FB3];
	_ =	sdelay $0x3  }
0x34: {  	[smem:$0x3FB3] =	sst s10  }
0x35: {  	s10 =	sld [smem:$0x3FB2];
	_ =	sdelay $0x3  }
0x36: {  	p1 =	seq.s32 s10, $0x1;
	s10 =	sld [smem:$0x3FB3];
	_ =	sdelay $0x3  }
0x37: {  	[smem:$0x3FB3] =	sst s10  }
0x38: {  	s10 =	sld [smem:$0x3FB4]  }
0x39: {  	_ = 	snop;
	(pc) =	sbr.ind lr, $3  }
0x3a: {  	_ = 	snop  }
0x3b: {  	_ = 	snop  }
0x3c: {  	p2 =	seq.s32 s10, $0x1;
	s10 =	sld [smem:$0x3FB3]  }
0x3d: {  	_ =	shalt  }
0x3e: {  	_ =	shalt  }
0x3f: {  	_ =	shalt  }
0x40: {  	_ =	shalt  }
0x41: {  	_ =	shalt  }
0x42: {  	_ =	shalt  }
0x43: {  	_ =	shalt  }
0x44: {  	_ =	shalt  }
0x45: {  	_ =	shalt  }
0x46: {  	_ =	shalt  }
0x47: {  	_ =	shalt  }
0x48: {  	_ =	shalt  }
0x49: {  	_ =	shalt  }
0x4a: {  	_ =	shalt  }
0x4b: {  	_ =	shalt  }
0x4c: {  	_ =	shalt  }
0x4d: {  	_ =	shalt  }
0x4e: {  	_ =	shalt  }
0x4f: {  	_ =	shalt  }
0x50: {  	_ =	shalt  }
0x51: {  	_ =	shalt  }
0x52: {  	_ =	shalt  }
0x53: {  	_ =	shalt  }
0x54: {  	_ =	shalt  }
0x55: {  	_ =	shalt  }
0x56: {  	_ =	shalt  }
0x57: {  	_ =	shalt  }
0x58: {  	_ =	shalt  }
0x59: {  	_ =	shalt  }
0x5a: {  	_ =	shalt  }
0x5b: {  	_ =	shalt  }
0x5c: {  	_ =	shalt  }
0x5d: {  	_ =	shalt  }
0x5e: {  	_ =	shalt  }
0x5f: {  	_ =	shalt  }
0x60: {  	_ =	shalt  }
0x61: {  	_ =	shalt  }
0x62: {  	_ =	shalt  }
0x63: {  	_ =	shalt  }
0x64: {  	_ =	shalt  }
0x65: {  	_ =	shalt  }
0x66: {  	_ =	shalt  }
0x67: {  	_ =	shalt  }
0x68: {  	_ =	shalt  }
0x69: {  	_ =	shalt  }
0x6a: {  	_ =	shalt  }
0x6b: {  	_ =	shalt  }
0x6c: {  	_ =	shalt  }
0x6d: {  	_ =	shalt  }
0x6e: {  	_ =	shalt  }
0x6f: {  	_ =	shalt  }
0x70: {  	_ =	shalt  }
0x71: {  	_ =	shalt  }
0x72: {  	_ =	shalt  }
0x73: {  	_ =	shalt  }
0x74: {  	_ =	shalt  }
0x75: {  	_ =	shalt  }
0x76: {  	_ =	shalt  }
0x77: {  	_ =	shalt  }
0x78: {  	_ =	shalt  }
0x79: {  	_ =	shalt  }
0x7a: {  	_ =	shalt  }
0x7b: {  	_ =	shalt  }
0x7c: {  	_ =	shalt  }
0x7d: {  	_ =	shalt  }
0x7e: {  	_ =	shalt  }
0x7f: {  	_ =	shalt  }
0x80: {  	_ =	shalt  }
0x81: {  	_ =	shalt  }
0x82: {  	_ =	shalt  }
0x83: {  	_ =	shalt  }
0x84: {  	_ =	shalt  }
0x85: {  	_ =	shalt  }
0x86: {  	_ =	shalt  }
0x87: {  	_ =	shalt  }
.Lfunc_end0:
.L_simem_size_0:
called_computation_lowered:
.L_overlay_start_0:
0x88: {  	s2 =	sld [smem:$0x3FD9]  }
0x89: {  	s3 =	sld [smem:$0x3FFE];
	_ =	sdelay $0x1  }
0x8a: {  	s1 =	srdreg.scid  }
0x8b: {  	s0 =	sand.u32 $0x1, s1  }
0x8c: {  	s17 =	sshll.u32 s0, $0xA;
	s2 =	sadd.s32 s3, s2  }
0x8d: {  	s2 =	sadd.s32 s2, s17  }
0x8e: {  	[smem:$0x3FBF] =	sst s2  }
0x8f: {  	_ = 	snop  }
0x90: {  	s2 =	sld [smem:$0x3FD0];
	(tm) =	ssettm $0x1  }
0x91: {  	s18 =	sld [smem:$0x3FFB];
	_ =	sdelay $0x3  }
0x92: {  	_ =	strace s18  }
0x93: {  	s3 =	sld [smem:$0x3FFC];
	_ =	sdelay $0x3  }
0x94: {  	_ =	strace s3  }
0x95: {  	s3 =	sld [smem:$0x3FFD];
	_ =	sdelay $0x3  }
0x96: {  	_ =	strace s3  }
0x97: {  	_ =	strace $0x8FFFFFFF  }
0x98: {  	s19 =	sld [smem:$0x3FDB];
	_ =	sdelay $0x1  }
0x99: {  	s4 =	simm.s32 $_scs_section_size  }
0x9a: {  	s5 =	simm.s32 $_size__tile_overlayer_lowered;
	s6 =	simm.s32 $_tile_overlayer_lowered  }
0x9b: {  	s22 =	simm.s32 $0x1BFF;
	s21 =	sshll.u32 s6, $0x1;
	s3 =	sadd.s32 s4, s19  }
0x9c: {  	s7 =	simm.s32 $0x0;
	s20 =	sshll.u32 s5, $0x1;
	s5 =	sadd.s32 s21, s3  }
0x9d: {  	[timem:s7], [sflag:s22] =	dma.local [hbm:s5], s20  }
0x9e: {  	_ =	swait.ge [sflag:s22], s20  }
0x9f: {  	s4 =	ssub.s32 $0x0, s20;
	[sflag:s22] =	ssyncset.done $0x0  }
0xa0: {  	[sflag:s22] =	ssyncadd.s32 s4;
	_ =	sdelay $0x1  }
0xa1: {  	s23 =	simm.s32 $0x1B8B  }
0xa2: {  	_ =	swait.ge [sflag:s23], $0x1  }
0xa3: {  	[sflag:s23] =	ssyncset.done $0x0  }
0xa4: {  	s25 =	simm.s32 $0x1B8E;
	s24 =	sld [smem:$0x3FFE];
	[sflag:s23] =	ssyncadd.s32 $0xFFFFFFFF  }
0xa5: {  	s26 =	simm.s32 $execute0_lowered;
	[smem:$0x3FD2] =	sst s25  }
0xa6: {  	s5 =	sshll.u32 s26, $0x1;
	_ =	strace $0x80000046;
	[dreg:$0x1] =	wrdreg $0xFFFFFFFF  }
0xa7: {  	s28 =	simm.s32 $_size_execute0_lowered;
	s3 =	sadd.s32 s3, s5;
	[dreg:$0x0] =	wrdreg $0x0  }
0xa8: {  	s5 =	sshll.u32 s28, $0x1;
	[dreg:$0x2] =	wrdreg s3  }
0xa9: {  	[dreg:$0x3] =	wrdreg s5  }
0xaa: {  	[dreg:$0x4] =	wrdreg $0xC0  }
0xab: {  	_ =	task [dreg:s7], $0x5FFFF  }
0xac: {  	[dreg:$0x1] =	wrdreg $0xFFFFFFFF  }
0xad: {  	[dreg:$0x0] =	wrdreg $0x60  }
0xae: {  	[dreg:$0x2] =	wrdreg s24  }
0xaf: {  	[dreg:$0x3] =	wrdreg s2  }
0xb0: {  	[dreg:$0x4] =	wrdreg $0x9  }
0xb1: {  	_ =	task.clear_ibuf [dreg:s7], $0x5FFFF;
	_ =	strace $0x90000046  }
0xb2: {  	s29 =	simm.s32 $0x9;
	_ =	strace $0x80000048  }
0xb3: {  	_ =	swait.ge [sflag:s29], $0x1  }
0xb4: {  	[sflag:s29] =	ssyncadd.s32 $0xFFFFFFFF  }
0xb5: {  	_ =	strace $0x90000048  }
0xb6: {  	_ =	sfence  }
0xb7: {  	s30 =	sld [smem:$0x0];
	_ =	sdelay $0x2  }
0xb8: {  	s31 =	sshll.u32 s1, $0xD;
	s1 =	sshrl.u32 s1, $0x2  }
0xb9: {  	s3 =	sand.u32 $0x4000, s31;
	s1 =	sadd.s32 s1, s30  }
0xba: {  	s0 =	sor.u32 s3, s0;
	s1 =	sshll.u32 s1, $0x11  }
0xbb: {  	s0 =	sor.u32 s1, s0  }
0xbc: {  	s0 =	sadd.s32 $0x8F2B, s0  }
0xbd: {  	[sflag:s0] =	ssyncadd.remote.s32 $0x1  }
0xbe: {  	_ =	sfence.sel $0xFFFF  }
0xbf: {  	[dreg:$0x0] =	wrdreg $0xFFFFFFFF;
	(pc) =	sbr.abs _section_cstart, $3  }
0xc0: {  	[dreg:$0x1] =	wrdreg $0xFFFFFFFF  }
0xc1: {  	_ =	task.clear_ibuf [dreg:s7], $0x2FFFF;
	_ =	strace $0x9FFFFFFF  }
0xc2: {  	(tm) =	ssettm $0x7FFFFFFF  }
0xc3: {  	_ =	shalt  }
tec
execute0_lowered:
.L_overlay_start_1:
0x0: {  	(tag) =	ssettag $0x1  }
0x1: {  	s5 =	rddreg [dreg:$0x0]  }
0x2: {  	s0 =	srdreg.scid;
	s10 =	rddreg [dreg:$0x1]  }
0x3: {  	s7 =	simm.s32 $0x1;
	s2 =	simm.s32 $0x0;
	s4 =	sand.u32 $0x1, s0  }
0x4: {  	s14 =	simm.s32 $0x7530;
	s0 =	stileid.u32;
	s1 =	sshll.u32 s4, $0x4  }
0x5: {  	v0 =	vimm.s32 $0xEDCBA987;
	v1 =	vimm.s32 $0x65432100;
	s15 =	simm.s32 $0x9C40;
	s3 =	sand.u32 $0x3, s0;
	s1 =	sor.u32 s0, s1  }
0x6: {  	v2 =	vimm.f32 $0.0e+00;
	v5 =	vimm.s32 $0xDCBA9876;
	v6 =	vimm.s32 $0x54321000;
	s16 =	simm.s32 $0xC350;
	p1 =	sne.s32 s3, $0x0;
	p0 =	seq.s32 s1, $0x0  }
0x7: {  	v7 =	vimm.s32 $0xBA987654;
	v8 =	vimm.s32 $0xE40000;
	v9 =	vimm.s32 $0x32100000;
	s17 =	simm.s32 $0xEA60;
	s18 =	simm.s32 $0x0;
	p0 =	por !p1, !p0  }
0x8: {  	v10 =	vimm.s32 $0x7060504;
	v0 =	vunpack.c.l.s4.s8 v0;
	v3 =	vunpack.c.l.s4.s8 v1;
	[smem:$0x7FF] =	sst s2;
	s4 =	ssub.s32 $0x2, s4;
	p0 =	por !p0, !p0  }
0x9: {  	v5 =	vunpack.c.l.s4.s8 v5;
	v6 =	vunpack.c.l.s4.s8 v6;
	v7 =	vunpack.c.l.s4.s8 v7;
	s6 =	smul.u32 $0x32, s3;
	s8 =	sshrl.u32 s1, $0x2;
	s7 =	simm.s32 @!p0 $0x0  }
0xa: {  	v8 =	vunpack.c.l.s2.s4 v8;
	v9 =	vunpack.c.l.s4.s8 v9;
	v4 =	vunpack.c.0.s8.s32 v0;
	s21 =	smul.u32 $0x75300, s3;
	s3 =	simm.s32 $0x1;
	s7 =	ssub.s32 s8, s7  }
0xb: {  	v3 =	vunpack.c.0.s8.s32 v3;
	s23 =	sshrl.u32 s4, $0x1;
	v5 =	vunpack.c.0.s8.s32 v5;
	v6 =	vunpack.c.0.s8.s32 v6;
	s1 =	rddreg [dreg:$0x2];
	s20 =	smul.u32 $0x2710, s7  }
0xc: {  	v7 =	vunpack.c.0.s8.s32 v7;
	_ =	strace $0x80000047;
	s11 =	ssub.s32 s4, s23;
	s9 =	sadd.s32 $0x32, s6;
	v0 =	vmov s6;
	v4 =	vand.u32 $0xF, v4  }
0xd: {  	s11 =	smax.u32 s11, $0x1;
	v3 =	vcombine.low v3, v4;
	v4 =	vand.u32 $0xF, v5;
	v5 =	vunpack.c.l.s4.s8 v8;
	s22 =	sshrl.u32 s20, $0x3;
	s24 =	sadd.s32 s21, s20  }
0xe: {  	v4 =	vcombine.low v6, v4;
	v6 =	vunpack.c.0.s8.s32 v9;
	v9 =	vimm.s32 $0x87654321;
	s5 =	sadd.s32 s22, s5;
	s25 =	sadd.s32 $0x13880, s24;
	s6 =	sshrl.u32 s24, $0x3  }
0xf: {  	vm0 =	vcmask $0x3F30;
	v8 =	vunpack.c.0.s8.s32 v5;
	v5 =	vimm.s32 $0xFFEDCBA9;
	s28 =	sadd.s32 $0x27100, s24;
	s30 =	sadd.s32 $0x3A980, s24;
	s12 =	sadd.s32 $0x4E200, s24  }
0x10: {  	v7 =	vand.u32 $0xF, v7;
	v9 =	vunpack.c.l.s4.s8 v9;
	v11 =	vunpack.c.l.s4.s8 v5;
	s13 =	sadd.s32 $0x61A80, s24;
	s4 =	sadd.s32 $0x1600, s5;
	s26 =	sshrl.u32 s25, $0x3  }
0x11: {  	v1 =	vmov s9;
	v5 =	vcombine.low v6, v7;
	v7 =	vunpack.c.0.s8.s32 v10;
	s5 =	sadd.s32 s10, s6;
	s29 =	sshrl.u32 s28, $0x3;
	s8 =	sshrl.u32 s30, $0x3  }
0x12: {  	v8 =	vand.u32 $0x3, v8;
	v9 =	vunpack.c.0.s8.s32 v9;
	v10 =	vunpack.c.0.s8.s32 v11;
	s12 =	sshrl.u32 s12, $0x3;
	s31 =	sshrl.u32 s13, $0x3;
	s13 =	simm.s32 $0x4E20  }
0x13: {  	v6 =	vlaneseq.u32;
	v7 =	vsel vm0, v7, v8;
	v8 =	vimm.s32 $0x0;
	s6 =	sadd.s32 s10, s26;
	s7 =	sadd.s32 s10, s29;
	s8 =	sadd.s32 s10, s8  }
0x14: {  	vm0 =	vcmask $0x3F3C;
	v9 =	vcombine.low v9, v10;
	v10 =	vimm.f32 $1.000000000e+00;
	s9 =	sadd.s32 s10, s12;
	s10 =	sadd.s32 s10, s31;
	s12 =	simm.s32 $0x2710  }
.LBB2_1:
0x15: {  	[tilespmem:s2], [sflag:$0x1] =	stream.linear.gather [hbm4b:s4+s2], $0x2710, $0x38;
	[tilespmem:$0x11170] =	vst v63  }
0x16: {  	_ =	swait.ge [sflag:s3], $0x2710  }
0x17: {  	[sflag:s3] =	ssyncset.done $0x0  }
0x18: {  	s19 =	simm.s32 $0x0;
	[sflag:s3] =	ssyncadd.s32 $0xFFFFD8F0  }
0x19: {  	[tilespmem:s19+$0xEA60] =	vst v2  }
0x1a: {  	[tilespmem:s19+$0x2710] =	vst v2  }
0x1b: {  	[tilespmem:s19+$0x4E20] =	vst v2  }
0x1c: {  	[tilespmem:s19+$0x7530] =	vst v2  }
0x1d: {  	s20 =	simm.s32 $0x40;
	[tilespmem:s19+$0x9C40] =	vst v2  }
.LBB2_2:
0x1e: {  	p0 =	sne.s32 s20, $0x9C00;
	[tilespmem:s19+$0xC350] =	vst v2;
	s19 =	sshra.s32 s20, $0x2;
	s20 =	sadd.s32 $0x40, s20  }
.Ltmp0:
0x1f: {  	[tilespmem:s19+$0xEA60] =	vst v2;
	(pc) =	sbr.rel @p0 .LBB2_2-.Ltmp0, $4  }
0x20: {  	[tilespmem:s19+$0x2710] =	vst v2  }
0x21: {  	[tilespmem:s19+$0x4E20] =	vst v2  }
0x22: {  	[tilespmem:s19+$0x7530] =	vst v2  }
0x23: {  	[tilespmem:s19+$0x9C40] =	vst v2  }
0x24: {  	s20 =	simm.s32 $0x0  }
0x25: {  	v11 =	vor.u32 s20, v6  }
0x26: {  	vm1 =	vlt.s32 v11, $0x9C3  }
0x27: {  	v12 =	vnsel vm1, $0x9C3, v11  }
0x28: {  	v12 =	vshll.u32 v12, $0x2  }
0x29: {  	v13 =	vor.u32 $0x1, v12;
	_ =	sdelay $0x3  }
0x2a: {  	[tilespmem:s19+$0xC350] =	vst v2;
	v14 =	vor.u32 $0x2, v12  }
0x2b: {  	v13 =	vld.idx.msk [tilespmem:v13+s2+$0x0], $0xffff;
	_ =	sdelay $0x2  }
0x2c: {  	v15 =	vld.idx.msk [tilespmem:v12+s2+$0x0], $0xffff  }
0x2d: {  	v16 =	vld.idx.msk [tilespmem:v14+s2+$0x0], $0xffff  }
0x2e: {  	v13 =	vadd.f32 $5.000000000e+01, v13;
	_ =	sdelay $0x1  }
0x2f: {  	v13 =	vadd.f32 v13, v13  }
0x30: {  	v14 =	vadd.f32 $5.000000000e+01, v15  }
0x31: {  	vm1 =	vgt.f32 v16, $-2.000000000e+00;
	v13 =	vtrunc.f32 v13  }
0x32: {  	vm3 =	vgt.f32 v16, $0.0e+00;
	v14 =	vadd.f32 v14, v14;
	v13 =	vcvt.f32.s32 v13  }
0x33: {  	v15 =	vsel vm1, $0x1, v8;
	v17 =	vsel vm3, $0x1, v8  }
0x34: {  	vm1 =	vgt.f32 v16, $4.000000000e+00;
	v14 =	vtrunc.f32 v14;
	vm2 =	vgt.s32 v13, $0x0  }
0x35: {  	vm3 =	vgt.f32 v16, $2.000000000e+00;
	v14 =	vcvt.f32.s32 v14;
	v13 =	vnsel vm2, $0x0, v13  }
0x36: {  	v15 =	vadd.s32 v17, v15;
	v18 =	vsel vm3, $0x1, v8;
	v13 =	vmin.u32 v13, $0xC7  }
0x37: {  	v15 =	vadd.s32 v18, v15;
	vm2 =	vgt.s32 v14, $0x0;
	v17 =	vsub.s32 v13, v0  }
0x38: {  	v18 =	vsel vm1, $0x1, v8;
	v14 =	vnsel vm2, $0x0, v14;
	v17 =	vmul.u32 $0xC8, v17  }
0x39: {  	v15 =	vadd.s32 v18, v15;
	v14 =	vmin.u32 v14, $0xC7  }
0x3a: {  	v15 =	vmin.u32 v15, $0x3;
	v14 =	vadd.s32 v14, v17  }
0x3b: {  	vm2 =	vlt.u32 v11, $0x9C4;
	vm1 =	vlt.u32 v13, v1;
	v14 =	vshll.u32 v14, $0x3  }
0x3c: {  	vm3 =	vge.u32 v13, v0;
	vm1 =	vmand vm2, vm1;
	v13 =	vor.u32 v15, v14  }
0x3d: {  	vm1 =	vmand vm1, vm3;
	v13 =	vxor.u32 $0x80000000, v13  }
0x3e: {  	v13 =	vnsel vm1, $0x90000000, v13  }
0x3f: {  	(xrf1) =	vsort.ascd.msk.u32 $0xffff, v13, v6;
	_ =	sdelay $0x7  }
0x40: {  	s31 =	simm.s32 $0x10  }
0x41: {  	v11 =	vor.u32 s31, v6  }
0x42: {  	vm2 =	vlt.s32 v11, $0x9C3  }
0x43: {  	v14 =	vnsel vm2, $0x9C3, v11  }
0x44: {  	v15 =	vshll.u32 v14, $0x2  }
0x45: {  	s19 =	simm.s32 $0x20;
	v16 =	vadd.f32 $2.000000000e+00, v16;
	v14 =	vor.u32 $0x1, v15;
	v13 =	vor.u32 $0x2, v15  }
.LBB2_4:
0x46: {  	p0 =	sne.s32 s19, $0x9C0;
	v17 =	vor.u32 $0x3, v12;
	v18, v19, _ =	vpop (xrf1);
	v12 =	vmov v15;
	s20 =	smov.u32 s19;
	s19 =	sadd.s32 $0x10, s19  }
0x47: {  	v15 =	vxor.u32 $0x80000000, v18;
	v16 =	vperm.xlane v16, v19;
	v20 =	vperm.xlane v19, v3  }
0x48: {  	v18 =	vand.u32 $0x7, v18;
	v21 =	vperm.xlane v15, v3;
	v22 =	vperm.xlane v15, v5  }
0x49: {  	vm1 =	vlt.s32 v15, $0x10000000;
	v23 =	vperm.xlane v16, v3;
	vm2 =	vgt.s32 v19, v20  }
0x4a: {  	v24 =	vshra.s32 v15, $0x3;
	v25 =	vshra.s32 v21, $0x3;
	v20 =	vsel vm2, v19, v20  }
0x4b: {  	vm2 =	veq.s32 v21, v15;
	v21 =	vmax.f32 v16, v23;
	vm3 =	veq.s32 v25, v24  }
0x4c: {  	v16 =	vsel vm2, v21, v16;
	v19 =	vsel vm3, v20, v19;
	v20 =	vperm.xlane v15, v9  }
0x4d: {  	v25 =	vshra.s32 v22, $0x3;
	v21 =	vperm.xlane v15, v4;
	v23 =	vperm.xlane v19, v4  }
0x4e: {  	v18 =	vmul.u32 $0x2710, v18;
	v27 =	vnsel vm1, $0x0, v24;
	v26 =	vperm.xlane v16, v4  }
0x4f: {  	v28 =	vshra.s32 v21, $0x3;
	vm3 =	vne.s32 v20, v15;
	vm2 =	vgt.s32 v19, v23  }
0x50: {  	vm4 =	veq.s32 v21, v15;
	vm5 =	veq.s32 v28, v24;
	vm3 =	vmor vm3, vm0  }
0x51: {  	vm6 =	veq.s32 v25, v24;
	v21 =	vsel vm2, v19, v23;
	vm2 =	vmand vm1, vm3  }
0x52: {  	v18 =	vadd.s32 v18, v27;
	v23 =	vmax.f32 v16, v26;
	v19 =	vsel vm5, v21, v19  }
0x53: {  	v20 =	vshra.s32 v20, $0x3;
	v16 =	vsel vm4, v23, v16;
	v21 =	vperm.xlane v19, v5  }
0x54: {  	vm3 =	veq.s32 v22, v15;
	vm4 =	vne.s32 v20, v24;
	v22 =	vperm.xlane v16, v5  }
0x55: {  	v20 =	vperm.xlane v15, v7;
	vm4 =	vmor vm4, vm0;
	vm5 =	vgt.s32 v19, v21  }
0x56: {  	v22 =	vmax.f32 v16, v22;
	v21 =	vsel vm5, v19, v21  }
0x57: {  	v16 =	vsel vm3, v22, v16;
	vm3 =	veq.s32 v20, v15;
	v19 =	vsel vm6, v21, v19;
	v17 =	vld.idx.msk [tilespmem:v17+s2+$0x0], $0xffff  }
0x58: {  	v20 =	vshra.s32 v20, $0x3;
	v15 =	vperm.xlane v16, v7;
	v21 =	vperm.xlane v19, v7;
	v22 =	vld.idx.msk [tilespmem:v18+s12+$0x0], vm2  }
0x59: {  	vm1 =	vmand vm1, vm4;
	vm5 =	veq.s32 v20, v24  }
0x5a: {  	v15 =	vmax.f32 v16, v15;
	vm4 =	vgt.s32 v19, v21  }
0x5b: {  	v20 =	vadd.s32 $0x9C40, v27;
	v15 =	vsel vm3, v15, v16;
	v16 =	vsel vm4, v19, v21  }
0x5c: {  	v16 =	vsel vm5, v16, v19;
	v19 =	vadd.s32 $0xC350, v27  }
0x5d: {  	v16 =	vperm.xlane v17, v16  }
0x5e: {  	v15 =	vmax.f32 v22, v15  }
0x5f: {  	v16 =	vmax.f32 v16, $0.0e+00;
	[tilespmem:v18+s12+$0x0] =	vst.idx.msk vm2, v15  }
0x60: {  	[tilespmem:v20+s12+$0x0] =	vst.idx.msk vm1, v16  }
0x61: {  	[tilespmem:v19+s12+$0x0] =	vst.idx.msk vm1, v10  }
0x62: {  	v14 =	vld.idx.msk [tilespmem:v14+s2+$0x0], $0xffff;
	_ =	sdelay $0x1  }
0x63: {  	v15 =	vld.idx.msk [tilespmem:v12+s2+$0x0], $0xffff;
	_ =	sdelay $0x3  }
0x64: {  	v16 =	vld.idx.msk [tilespmem:v13+s2+$0x0], $0xffff;
	v13 =	vadd.f32 $5.000000000e+01, v14;
	_ =	sdelay $0x1  }
0x65: {  	v14 =	vadd.f32 $5.000000000e+01, v15;
	v13 =	vadd.f32 v13, v13;
	_ =	sdelay $0x1  }
0x66: {  	v14 =	vadd.f32 v14, v14;
	v13 =	vtrunc.f32 v13  }
0x67: {  	v13 =	vcvt.f32.s32 v13  }
0x68: {  	v14 =	vtrunc.f32 v14;
	vm1 =	vgt.f32 v16, $-2.000000000e+00;
	vm2 =	vgt.f32 v16, $0.0e+00  }
0x69: {  	v14 =	vcvt.f32.s32 v14;
	v15 =	vsel vm1, $0x1, v8;
	vm3 =	vgt.s32 v13, $0x0  }
0x6a: {  	v17 =	vsel vm2, $0x1, v8;
	vm1 =	vgt.f32 v16, $4.000000000e+00;
	v13 =	vnsel vm3, $0x0, v13  }
0x6b: {  	vm2 =	vgt.s32 v14, $0x0;
	vm3 =	vgt.f32 v16, $2.000000000e+00;
	v13 =	vmin.u32 v13, $0xC7  }
0x6c: {  	v15 =	vadd.s32 v17, v15;
	v14 =	vnsel vm2, $0x0, v14;
	v17 =	vsub.s32 v13, v0  }
0x6d: {  	v18 =	vsel vm3, $0x1, v8;
	vm2 =	vlt.u32 v13, v1;
	v17 =	vmul.u32 $0xC8, v17  }
0x6e: {  	v14 =	vmin.u32 v14, $0xC7;
	v15 =	vadd.s32 v18, v15;
	v18 =	vsel vm1, $0x1, v8  }
0x6f: {  	v15 =	vadd.s32 v18, v15;
	v14 =	vadd.s32 v14, v17  }
0x70: {  	vm1 =	vlt.u32 v11, $0x9C4;
	v11 =	vmin.u32 v15, $0x3;
	v14 =	vshll.u32 v14, $0x3  }
0x71: {  	vm3 =	vge.u32 v13, v0;
	vm1 =	vmand vm1, vm2;
	v11 =	vor.u32 v11, v14  }
0x72: {  	vm1 =	vmand vm1, vm3;
	v11 =	vxor.u32 $0x80000000, v11  }
0x73: {  	v11 =	vnsel vm1, $0x90000000, v11  }
0x74: {  	(xrf1) =	vsort.ascd.msk.u32 $0xffff, v11, v6;
	_ =	sdelay $0x6  }
0x75: {  	v11 =	vor.u32 s20, v6  }
0x76: {  	vm1 =	vlt.s32 v11, $0x9C3  }
.Ltmp1:
0x77: {  	v13 =	vnsel vm1, $0x9C3, v11;
	(pc) =	sbr.rel @p0 .LBB2_4-.Ltmp1, $3  }
0x78: {  	v15 =	vshll.u32 v13, $0x2  }
0x79: {  	v14 =	vor.u32 $0x1, v15;
	v13 =	vor.u32 $0x2, v15;
	_ =	sdelay $0x1  }
0x7a: {  	v16 =	vadd.f32 $2.000000000e+00, v16  }
0x7b: {  	v17, v18, _ =	vpop (xrf1)  }
0x7c: {  	v19 =	vxor.u32 $0x80000000, v17;
	v16 =	vperm.xlane v16, v18  }
0x7d: {  	v12 =	vor.u32 $0x3, v12;
	v20 =	vperm.xlane v18, v3;
	v21 =	vperm.xlane v19, v3  }
0x7e: {  	v17 =	vand.u32 $0x7, v17;
	v22 =	vperm.xlane v19, v5;
	v24 =	vshra.s32 v19, $0x3  }
0x7f: {  	vm1 =	vlt.s32 v19, $0x10000000;
	vm2 =	vgt.s32 v18, v20;
	v25 =	vshra.s32 v21, $0x3  }
0x80: {  	v58 =	vperm.xlane v19, v4;
	v20 =	vsel vm2, v18, v20;
	vm2 =	veq.s32 v25, v24  }
0x81: {  	v60 =	vperm.xlane v19, v9;
	v17 =	vmul.u32 $0x2710, v17;
	v18 =	vsel vm2, v20, v18  }
0x82: {  	v23 =	vperm.xlane v16, v3;
	v26 =	vnsel vm1, $0x0, v24;
	v59 =	vperm.xlane v18, v4  }
0x83: {  	vm3 =	veq.s32 v21, v19;
	v27 =	vshra.s32 v58, $0x3;
	vm5 =	veq.s32 v58, v19  }
0x84: {  	v57 =	vmax.f32 v16, v23;
	vm4 =	veq.s32 v27, v24;
	vm2 =	vgt.s32 v18, v59  }
0x85: {  	v16 =	vsel vm3, v57, v16;
	vm3 =	vne.s32 v60, v19;
	v21 =	vsel vm2, v18, v59  }
0x86: {  	v61 =	vperm.xlane v16, v4;
	vm2 =	vmor vm3, vm0;
	v18 =	vsel vm4, v21, v18  }
0x87: {  	v63 =	vshra.s32 v22, $0x3;
	vm2 =	vmand vm1, vm2;
	v21 =	vperm.xlane v18, v5  }
0x88: {  	v17 =	vadd.s32 v17, v26;
	vm8 =	veq.s32 v22, v19;
	v62 =	vmax.f32 v16, v61  }
0x89: {  	v31 =	vadd.s32 $0x9C40, v26;
	v16 =	vsel vm5, v62, v16;
	vm4 =	vgt.s32 v18, v21  }
0x8a: {  	vm3 =	veq.s32 v63, v24;
	v20 =	vperm.xlane v16, v5;
	v21 =	vsel vm4, v18, v21  }
0x8b: {  	v23 =	vshra.s32 v60, $0x3;
	v27 =	vperm.xlane v19, v7;
	v18 =	vsel vm3, v21, v18  }
0x8c: {  	v12 =	vld.idx.msk [tilespmem:v12+s2+$0x0], $0xffff;
	v20 =	vmax.f32 v16, v20;
	vm3 =	vne.s32 v23, v24;
	v28 =	vperm.xlane v18, v7  }
0x8d: {  	v22 =	vshra.s32 v27, $0x3;
	v16 =	vsel vm8, v20, v16;
	vm3 =	vmor vm3, vm0;
	v30 =	vld.idx.msk [tilespmem:v17+s12+$0x0], vm2  }
0x8e: {  	v29 =	vperm.xlane v16, v7;
	vm1 =	vmand vm1, vm3;
	vm3 =	vgt.s32 v18, v28  }
0x8f: {  	v32 =	vadd.s32 $0xC350, v26;
	vm10 =	veq.s32 v22, v24;
	v20 =	vsel vm3, v18, v28  }
0x90: {  	vm9 =	veq.s32 v27, v19;
	v19 =	vmax.f32 v16, v29;
	v18 =	vsel vm10, v20, v18  }
0x91: {  	v16 =	vsel vm9, v19, v16;
	v12 =	vperm.xlane v12, v18  }
0x92: {  	v16 =	vmax.f32 v30, v16  }
0x93: {  	[tilespmem:v17+s12+$0x0] =	vst.idx.msk vm2, v16;
	v12 =	vmax.f32 v12, $0.0e+00  }
0x94: {  	[tilespmem:v31+s12+$0x0] =	vst.idx.msk vm1, v12  }
0x95: {  	[tilespmem:v32+s12+$0x0] =	vst.idx.msk vm1, v10  }
0x96: {  	v12 =	vld.idx.msk [tilespmem:v14+s2+$0x0], $0xffff;
	_ =	sdelay $0x2  }
0x97: {  	v33 =	vld.idx.msk [tilespmem:v15+s2+$0x0], $0xffff;
	_ =	sdelay $0x1  }
0x98: {  	v12 =	vadd.f32 $5.000000000e+01, v12  }
0x99: {  	v13 =	vld.idx.msk [tilespmem:v13+s2+$0x0], $0xffff  }
0x9a: {  	v12 =	vadd.f32 v12, v12  }
0x9b: {  	v14 =	vadd.f32 $5.000000000e+01, v33  }
0x9c: {  	v12 =	vtrunc.f32 v12  }
0x9d: {  	v14 =	vadd.f32 v14, v14;
	v12 =	vcvt.f32.s32 v12  }
0x9e: {  	vm1 =	vgt.f32 v13, $-2.000000000e+00;
	vm2 =	vgt.f32 v13, $0.0e+00  }
0x9f: {  	v34 =	vsel vm1, $0x1, v8;
	v14 =	vtrunc.f32 v14;
	vm3 =	vgt.s32 v12, $0x0  }
0xa0: {  	v35 =	vsel vm2, $0x1, v8;
	v14 =	vcvt.f32.s32 v14;
	v12 =	vnsel vm3, $0x0, v12  }
0xa1: {  	vm1 =	vgt.f32 v13, $4.000000000e+00;
	v16 =	vadd.s32 v35, v34;
	v12 =	vmin.u32 v12, $0xC7  }
0xa2: {  	vm2 =	vgt.s32 v14, $0x0;
	vm3 =	vgt.f32 v13, $2.000000000e+00;
	v36 =	vsub.s32 v12, v0  }
0xa3: {  	v14 =	vnsel vm2, $0x0, v14;
	v37 =	vsel vm3, $0x1, v8;
	v18 =	vmul.u32 $0xC8, v36  }
0xa4: {  	v38 =	vsel vm1, $0x1, v8;
	v14 =	vmin.u32 v14, $0xC7;
	v16 =	vadd.s32 v37, v16  }
0xa5: {  	vm2 =	vlt.u32 v11, $0x9C4;
	v16 =	vadd.s32 v38, v16;
	v14 =	vadd.s32 v14, v18  }
0xa6: {  	vm1 =	vlt.u32 v12, v1;
	v11 =	vmin.u32 v16, $0x3;
	v14 =	vshll.u32 v14, $0x3  }
0xa7: {  	vm3 =	vge.u32 v12, v0;
	vm1 =	vmand vm2, vm1;
	v11 =	vor.u32 v11, v14  }
0xa8: {  	vm1 =	vmand vm1, vm3;
	v11 =	vxor.u32 $0x80000000, v11  }
0xa9: {  	v11 =	vnsel vm1, $0x90000000, v11  }
0xaa: {  	(xrf1) =	vsort.ascd.msk.u32 $0xffff, v11, v6;
	_ =	sdelay $0xc  }
0xab: {  	v11 =	vadd.f32 $2.000000000e+00, v13  }
0xac: {  	v39, v40, _ =	vpop (xrf1)  }
0xad: {  	v41 =	vxor.u32 $0x80000000, v39;
	v11 =	vperm.xlane v11, v40  }
0xae: {  	v42 =	vor.u32 $0x3, v15;
	v43 =	vperm.xlane v40, v3;
	v44 =	vperm.xlane v41, v3  }
0xaf: {  	v12 =	vand.u32 $0x7, v39;
	v45 =	vperm.xlane v41, v5;
	v47 =	vshra.s32 v41, $0x3  }
0xb0: {  	vm1 =	vlt.s32 v41, $0x10000000;
	vm2 =	vgt.s32 v40, v43;
	v48 =	vshra.s32 v44, $0x3  }
0xb1: {  	v50 =	vperm.xlane v41, v4;
	v16 =	vsel vm2, v40, v43;
	vm2 =	veq.s32 v48, v47  }
0xb2: {  	v52 =	vperm.xlane v41, v9;
	v58 =	vperm.xlane v41, v7;
	v13 =	vsel vm2, v16, v40  }
0xb3: {  	v12 =	vmul.u32 $0x2710, v12;
	v46 =	vperm.xlane v11, v3;
	v51 =	vperm.xlane v13, v4  }
0xb4: {  	v54 =	vnsel vm1, $0x0, v47;
	vm3 =	veq.s32 v44, v41;
	v55 =	vshra.s32 v50, $0x3  }
0xb5: {  	v49 =	vmax.f32 v11, v46;
	vm11 =	veq.s32 v55, v47;
	vm2 =	vgt.s32 v13, v51  }
0xb6: {  	v11 =	vsel vm3, v49, v11;
	vm3 =	vne.s32 v52, v41;
	v17 =	vsel vm2, v13, v51  }
0xb7: {  	v53 =	vperm.xlane v11, v4;
	vm2 =	vmor vm3, vm0;
	v13 =	vsel vm11, v17, v13  }
0xb8: {  	vm12 =	veq.s32 v50, v41;
	vm2 =	vmand vm1, vm2;
	v17 =	vperm.xlane v13, v5  }
0xb9: {  	v57 =	vshra.s32 v45, $0x3;
	v12 =	vadd.s32 v12, v54;
	v56 =	vmax.f32 v11, v53  }
0xba: {  	v19 =	vshra.s32 v52, $0x3;
	v11 =	vsel vm12, v56, v11;
	vm4 =	vgt.s32 v13, v17  }
0xbb: {  	vm3 =	veq.s32 v57, v47;
	v16 =	vperm.xlane v11, v5;
	v17 =	vsel vm4, v13, v17  }
0xbc: {  	vm13 =	veq.s32 v45, v41;
	vm14 =	veq.s32 v58, v41;
	v13 =	vsel vm3, v17, v13  }
0xbd: {  	v15 =	vld.idx.msk [tilespmem:v42+s2+$0x0], $0xffff;
	v16 =	vmax.f32 v11, v16;
	vm3 =	vne.s32 v19, v47;
	v59 =	vperm.xlane v13, v7  }
0xbe: {  	v18 =	vshra.s32 v58, $0x3;
	v11 =	vsel vm13, v16, v11;
	vm3 =	vmor vm3, vm0;
	v61 =	vld.idx.msk [tilespmem:v12+s12+$0x0], vm2  }
0xbf: {  	v60 =	vperm.xlane v11, v7;
	vm1 =	vmand vm1, vm3;
	vm3 =	vgt.s32 v13, v59  }
0xc0: {  	v62 =	vadd.s32 $0x9C40, v54;
	vm15 =	veq.s32 v18, v47;
	v16 =	vsel vm3, v13, v59  }
0xc1: {  	v63 =	vadd.s32 $0xC350, v54;
	v14 =	vmax.f32 v11, v60;
	v13 =	vsel vm15, v16, v13  }
0xc2: {  	v11 =	vsel vm14, v14, v11;
	v13 =	vperm.xlane v15, v13  }
0xc3: {  	v11 =	vmax.f32 v61, v11  }
0xc4: {  	[tilespmem:v12+s12+$0x0] =	vst.idx.msk vm2, v11;
	v13 =	vmax.f32 v13, $0.0e+00  }
0xc5: {  	[tilespmem:v62+s12+$0x0] =	vst.idx.msk vm1, v13  }
0xc6: {  	[tilespmem:v63+s12+$0x0] =	vst.idx.msk vm1, v10  }
0xc7: {  	[hbm4b:s5+s2] =	stream.linear.scatter [tilespmem:s12], [sflag:$0x1], $0x2710, $0x38;
	[tilespmem:$0x11170] =	vst v63  }
0xc8: {  	_ =	swait.ge [sflag:s3], $0x2710  }
0xc9: {  	[sflag:s3] =	ssyncset.done $0x0  }
0xca: {  	[sflag:s3] =	ssyncadd.s32 $0xFFFFD8F0  }
0xcb: {  	[hbm4b:s6+s2] =	stream.linear.scatter [tilespmem:s13], [sflag:$0x1], $0x2710, $0x38;
	[tilespmem:$0x11170] =	vst v63  }
0xcc: {  	_ =	swait.ge [sflag:s3], $0x2710  }
0xcd: {  	[sflag:s3] =	ssyncset.done $0x0  }
0xce: {  	[sflag:s3] =	ssyncadd.s32 $0xFFFFD8F0  }
0xcf: {  	[hbm4b:s7+s2] =	stream.linear.scatter [tilespmem:s14], [sflag:$0x1], $0x2710, $0x38;
	[tilespmem:$0x11170] =	vst v63  }
0xd0: {  	_ =	swait.ge [sflag:s3], $0x2710  }
0xd1: {  	[sflag:s3] =	ssyncset.done $0x0  }
0xd2: {  	[sflag:s3] =	ssyncadd.s32 $0xFFFFD8F0  }
0xd3: {  	[hbm4b:s8+s2] =	stream.linear.scatter [tilespmem:s15], [sflag:$0x1], $0x2710, $0x38;
	[tilespmem:$0x11170] =	vst v63  }
0xd4: {  	_ =	swait.ge [sflag:s3], $0x2710  }
0xd5: {  	[sflag:s3] =	ssyncset.done $0x0  }
0xd6: {  	[sflag:s3] =	ssyncadd.s32 $0xFFFFD8F0  }
0xd7: {  	[hbm4b:s9+s2] =	stream.linear.scatter [tilespmem:s16], [sflag:$0x1], $0x2710, $0x38;
	[tilespmem:$0x11170] =	vst v63  }
0xd8: {  	s18 =	sadd.s32 $0x1, s18;
	_ =	swait.ge [sflag:s3], $0x2710  }
0xd9: {  	p0 =	sne.s32 s18, s11;
	[sflag:s3] =	ssyncset.done $0x0  }
.Ltmp2:
0xda: {  	[sflag:s3] =	ssyncadd.s32 $0xFFFFD8F0;
	(pc) =	sbr.rel @p0 .LBB2_1-.Ltmp2, $4  }
0xdb: {  	[hbm4b:s10+s2] =	stream.linear.scatter [tilespmem:s17], [sflag:$0x1], $0x2710, $0x38;
	[tilespmem:$0x11170] =	vst v63  }
0xdc: {  	_ =	swait.ge [sflag:s3], $0x2710  }
0xdd: {  	[sflag:s3] =	ssyncset.done $0x0  }
0xde: {  	[sflag:s3] =	ssyncadd.s32 $0xFFFFD8F0  }
0xdf: {  	_ =	sfence.sel $0x180000  }
0xe0: {  	[bflag:$0x0] =	sbarrier.arrive $0xFFFF  }
0xe1: {  	p0 =	sne.s32 s0, $0x0;
	_ =	strace $0x90000047  }
0xe2: {  	s0 =	sadd.s32 @!p0 $0x100000, s1;
	[bflag:$0x2] =	sbarrier.arrive $0xFFFF  }
0xe3: {  	[sflag:s0] =	ssyncadd.tile.s32 @!p0 $0x1;
	_ =	shalt  }
.Lfunc_end2:
_tile_overlayer_lowered:
.L_overlay_start_2:
0xe4: {  	(tag) =	ssettag $0x2  }
0xe5: {  	s0 =	rddreg [dreg:$0x0];
	s2 =	stileid.u32  }
0xe6: {  	s1 =	rddreg [dreg:$0x1];
	p0 =	sne.s32 s2, $0x0  }
0xe7: {  	s3 =	rddreg [dreg:$0x2];
	[bflag:$0x3] =	sbarrier.arrive $0xFFFF;
	s2 =	simm.s32 @!p0 $0x1C01  }
0xe8: {  	[timem:s3], [sflag:s2] =	dma.local @!p0 [hbm:s0], s1  }
0xe9: {  	s0 =	simm.s32 @!p0 $0x1  }
0xea: {  	_ =	swait.ge @!p0 [sflag:s0], s1  }
0xeb: {  	s1 =	ssub.s32 @!p0 $0x0, s1;
	[sflag:s0] =	ssyncset.done @!p0 $0x0  }
0xec: {  	[sflag:s0] =	ssyncadd.s32 @!p0 s1  }
0xed: {  	[bflag:$0x3] =	sbarrier.arrive $0xFFFF  }
0xee: {  	_ =	shalt  }

</sc_bundles>
